<compile_context>
chip_gen: v7x
topology: tpu7x:2x2x1
jax: 0.10.2.dev20260603
libtpu: 0.0.44.dev20260713+nightly
codegen_flags: <defaults>
</compile_context>

<pallas_src>
import functools

import jax
import jax.numpy as jnp
from jax import lax
from jax.experimental import pallas as pl
from jax.experimental.pallas import tpu as pltpu
from jax.experimental.pallas import tpu_sc as plsc

VOCAB = 100000
DIM = 128
B = 4096
L = 200
N = B * L
NC, NS = 2, 16
NW = NC * NS
PER_W = N // NW
CHUNK = 128
NCHUNK = PER_W // CHUNK
NBUF = 4


def _emb_body(ids_hbm, table_hbm, out_hbm, idx_v, rows_v, gsems, wsems):
    wid = lax.axis_index("s") * NC + lax.axis_index("c")
    base = wid * PER_W

    pltpu.sync_copy(ids_hbm.at[wid], idx_v)

    def fire_gather(g, b):
        pltpu.async_copy(table_hbm.at[idx_v.at[g]], rows_v.at[b], gsems[b])

    def wait_gather(b):
        pltpu.make_async_copy(
            table_hbm.at[pl.ds(0, CHUNK)], rows_v.at[b], gsems[b]
        ).wait()

    def fire_write(d, b):
        pltpu.async_copy(
            rows_v.at[b], out_hbm.at[pl.ds(base + d * CHUNK, CHUNK)], wsems[b]
        )

    def wait_write(b):
        pltpu.make_async_copy(
            rows_v.at[b], out_hbm.at[pl.ds(0, CHUNK)], wsems[b]
        ).wait()

    @pl.loop(0, NCHUNK, step=NBUF)
    def _(g0):
        for b in range(NBUF):
            g = g0 + b

            @pl.when(g >= NBUF)
            def _():
                wait_write(b)

            fire_gather(g, b)

            bd = (b + 1) % NBUF
            d = g - (NBUF - 1)

            @pl.when(d >= 0)
            def _():
                wait_gather(bd)
                fire_write(d, bd)

    for d in range(NCHUNK - NBUF + 1, NCHUNK):
        bd = d % NBUF
        wait_gather(bd)
        fire_write(d, bd)
    for b in range(NBUF):
        wait_write(b)


def kernel(token_ids, table):
    ids = token_ids.astype(jnp.int32).reshape(NW, NCHUNK, CHUNK)
    mesh = plsc.VectorSubcoreMesh(
        core_axis_name="c", subcore_axis_name="s", num_cores=NC, num_subcores=NS
    )
    out = pl.kernel(
        _emb_body,
        out_type=jax.ShapeDtypeStruct((N, DIM), jnp.float32),
        mesh=mesh,
        scratch_types=[
            pltpu.VMEM((NCHUNK, CHUNK), jnp.int32),
            pltpu.VMEM((NBUF, CHUNK, DIM), jnp.float32),
            [pltpu.SemaphoreType.DMA] * NBUF,
            [pltpu.SemaphoreType.DMA] * NBUF,
        ],
    )(ids, table)
    return out.reshape(B, L, DIM)

# --- scband reference (transcript-rebuilt; emitter-appended) ---
"""Pipeline reference for scband-embedding-layer-3624952397956 (READ-ONLY COPY).

The authoritative reference and input builder live on the scoring server;
editing this copy changes nothing except your own understanding.
"""

import jax, jax.numpy as jnp
import numpy as np

VOCAB = 100000
DIM = 128
PAD_IDX = 0
B = 4096
L = 200

def setup_inputs(seed: int = 0) -> dict:
    key = jax.random.key(seed)
    k1, k2 = jax.random.split(key)
    token_ids = jax.random.randint(k1, (B, L), 0, VOCAB, dtype=jnp.int64 if jax.config.jax_enable_x64 else jnp.int32)
    # xavier_uniform init for embedding table
    limit = float(np.sqrt(6.0 / (VOCAB + DIM)))
    table = jax.random.uniform(k2, (VOCAB, DIM), dtype=jnp.float32, minval=-limit, maxval=limit)
    table = table.at[PAD_IDX].set(0.0)
    return {"token_ids": token_ids, "table": table}

def reference(token_ids, table):
    # x_i = E[t_i] ; dropout disabled (p=0.0)
    embeddings = jnp.take(table, token_ids, axis=0)
    return embeddings

if __name__ == "__main__":
    import jax
    _d = setup_inputs()
    print(jax.jit(kernel)(*tuple(_d.values())))

</pallas_src>

<mosaic_0001>
#map = affine_map<(d0, d1) -> (0, 0, 0)>
#map1 = affine_map<(d0, d1) -> (0, 0)>
module attributes {stable_mosaic.version = 14 : i64} {
  func.func @_emb_body(%arg0: i32, %arg1: i32, %arg2: memref<32x200x128xi32, #tpu.memory_space<hbm>>, %arg3: memref<100000x128xf32, #tpu.memory_space<hbm>>, %arg4: memref<819200x128xf32, #tpu.memory_space<hbm>>, %arg5: memref<200x128xi32, #tpu.memory_space<vmem>>, %arg6: memref<4x128x128xf32, #tpu.memory_space<vmem>>, %arg7: memref<!tpu.dma_semaphore, #tpu.memory_space<semaphore_mem>>, %arg8: memref<!tpu.dma_semaphore, #tpu.memory_space<semaphore_mem>>, %arg9: memref<!tpu.dma_semaphore, #tpu.memory_space<semaphore_mem>>, %arg10: memref<!tpu.dma_semaphore, #tpu.memory_space<semaphore_mem>>, %arg11: memref<!tpu.dma_semaphore, #tpu.memory_space<semaphore_mem>>, %arg12: memref<!tpu.dma_semaphore, #tpu.memory_space<semaphore_mem>>, %arg13: memref<!tpu.dma_semaphore, #tpu.memory_space<semaphore_mem>>, %arg14: memref<!tpu.dma_semaphore, #tpu.memory_space<semaphore_mem>>) attributes {dimension_semantics = [#tpu.dimension_semantics<core_parallel>, #tpu.dimension_semantics<subcore_parallel>], iteration_bounds = array<i64: 2, 16>, scalar_prefetch = 0 : i64, scratch_operands = 10 : i64, tpu.core_type = #tpu.core_type<sc_vector_subcore>, window_params = [{transform_indices = #map}, {transform_indices = #map1}, {transform_indices = #map1}]} {
    %mul3A = arith.constant 2 : i32
    %mul3A_0 = arith.muli %arg1, %mul3A : i32
    %add3A = arith.addi %mul3A_0, %arg0 : i32
    %mul3A_1 = arith.constant 25600 : i32
    %mul3A_2 = arith.muli %add3A, %mul3A_1 : i32
    "tpu.region"() ({
      %run_scoped3A = tpu.sem_alloc : memref<!tpu.dma_semaphore, #tpu.memory_space<semaphore_mem>>
      %dma_start3A_155 = arith.constant 0 : i32
      %dma_start3A_156 = arith.constant 0 : i32
      %dma_start3A_157 = tpu.memref_slice %arg2[%add3A, %dma_start3A_155, %dma_start3A_156] : memref<32x200x128xi32, #tpu.memory_space<hbm>> -> memref<1x200x128xi32, #tpu.memory_space<hbm>>
      %dma_start3A_158 = tpu.memref_squeeze %dma_start3A_157 : memref<1x200x128xi32, #tpu.memory_space<hbm>> -> memref<200x128xi32, #tpu.memory_space<hbm>>
      %dma_start3A_159 = arith.constant 0 : i32
      %dma_start3A_160 = arith.constant 0 : i32
      %dma_start3A_161 = tpu.memref_slice %arg2[%add3A, %dma_start3A_159, %dma_start3A_160] : memref<32x200x128xi32, #tpu.memory_space<hbm>> -> memref<1x200x128xi32, #tpu.memory_space<hbm>>
      %dma_start3A_162 = tpu.memref_squeeze %dma_start3A_161 : memref<1x200x128xi32, #tpu.memory_space<hbm>> -> memref<200x128xi32, #tpu.memory_space<hbm>>
      tpu.enqueue_dma source(%dma_start3A_162 : memref<200x128xi32, #tpu.memory_space<hbm>>) target(%arg5 : memref<200x128xi32, #tpu.memory_space<vmem>>) target_semaphore(%run_scoped3A : memref<!tpu.dma_semaphore, #tpu.memory_space<semaphore_mem>>)
      %dma_wait3A_163 = arith.constant 0 : i32
      %dma_wait3A_164 = arith.constant 0 : i32
      %dma_wait3A_165 = tpu.memref_slice %arg2[%add3A, %dma_wait3A_163, %dma_wait3A_164] : memref<32x200x128xi32, #tpu.memory_space<hbm>> -> memref<1x200x128xi32, #tpu.memory_space<hbm>>
      %dma_wait3A_166 = tpu.memref_squeeze %dma_wait3A_165 : memref<1x200x128xi32, #tpu.memory_space<hbm>> -> memref<200x128xi32, #tpu.memory_space<hbm>>
      %dma_wait3A_167 = arith.constant 0 : i32
      %dma_wait3A_168 = arith.constant 0 : i32
      %dma_wait3A_169 = tpu.memref_slice %arg2[%add3A, %dma_wait3A_167, %dma_wait3A_168] : memref<32x200x128xi32, #tpu.memory_space<hbm>> -> memref<1x200x128xi32, #tpu.memory_space<hbm>>
      %dma_wait3A_170 = tpu.memref_squeeze %dma_wait3A_169 : memref<1x200x128xi32, #tpu.memory_space<hbm>> -> memref<200x128xi32, #tpu.memory_space<hbm>>
      tpu.wait_dma2 semaphore(%run_scoped3A : memref<!tpu.dma_semaphore, #tpu.memory_space<semaphore_mem>>) src(%dma_wait3A_170 : memref<200x128xi32, #tpu.memory_space<hbm>>) dst(%arg5 : memref<200x128xi32, #tpu.memory_space<vmem>>)
      tpu.yield
    }) : () -> ()
    %scan3A = arith.constant 0 : i32
    %scan3A_3 = arith.constant 50 : i32
    %scan3A_4 = arith.addi %scan3A, %scan3A_3 : i32
    %scan3A_5 = arith.constant 1 : i32
    scf.for %scan3A_155 = %scan3A to %scan3A_4 step %scan3A_5  : i32 {
      %mul3A_156 = arith.constant 4 : i32
      %mul3A_157 = arith.muli %scan3A_155, %mul3A_156 : i32
      %add3A_158 = arith.constant 0 : i32
      %add3A_159 = arith.addi %add3A_158, %mul3A_157 : i32
      %add3A_160 = arith.constant 0 : i32
      %add3A_161 = arith.addi %add3A_159, %add3A_160 : i32
      %ge3A = arith.constant 4 : i32
      %ge3A_162 = arith.cmpi sge, %add3A_161, %ge3A : i32
      %convert_element_type3A = arith.extui %ge3A_162 : i1 to i32
      %cond3A = arith.constant 0 : i32
      %cond3A_163 = arith.cmpi ne, %convert_element_type3A, %cond3A : i32
      scf.if %cond3A_163 {
        %dma_wait3A_256 = arith.constant 0 : i32
        %dma_wait3A_257 = arith.constant 0 : i32
        %dma_wait3A_258 = arith.constant 0 : i32
        %dma_wait3A_259 = tpu.memref_slice %arg6[%dma_wait3A_256, %dma_wait3A_257, %dma_wait3A_258] : memref<4x128x128xf32, #tpu.memory_space<vmem>> -> memref<1x128x128xf32, #tpu.memory_space<vmem>>
        %dma_wait3A_260 = tpu.memref_squeeze %dma_wait3A_259 : memref<1x128x128xf32, #tpu.memory_space<vmem>> -> memref<128x128xf32, #tpu.memory_space<vmem>>
        %dma_wait3A_261 = arith.constant 0 : i32
        %dma_wait3A_262 = arith.constant 0 : i32
        %dma_wait3A_263 = tpu.memref_slice %arg4[%dma_wait3A_261, %dma_wait3A_262] : memref<819200x128xf32, #tpu.memory_space<hbm>> -> memref<128x128xf32, #tpu.memory_space<hbm>>
        %dma_wait3A_264 = arith.constant 0 : i32
        %dma_wait3A_265 = arith.constant 0 : i32
        %dma_wait3A_266 = tpu.memref_slice %arg4[%dma_wait3A_264, %dma_wait3A_265] : memref<819200x128xf32, #tpu.memory_space<hbm>> -> memref<128x128xf32, #tpu.memory_space<hbm>>
        %dma_wait3A_267 = arith.constant 0 : i32
        %dma_wait3A_268 = arith.constant 0 : i32
        %dma_wait3A_269 = tpu.memref_slice %arg6[%dma_wait3A_256, %dma_wait3A_267, %dma_wait3A_268] : memref<4x128x128xf32, #tpu.memory_space<vmem>> -> memref<1x128x128xf32, #tpu.memory_space<vmem>>
        %dma_wait3A_270 = tpu.memref_squeeze %dma_wait3A_269 : memref<1x128x128xf32, #tpu.memory_space<vmem>> -> memref<128x128xf32, #tpu.memory_space<vmem>>
        tpu.wait_dma2 semaphore(%arg11 : memref<!tpu.dma_semaphore, #tpu.memory_space<semaphore_mem>>) src(%dma_wait3A_270 : memref<128x128xf32, #tpu.memory_space<vmem>>) dst(%dma_wait3A_266 : memref<128x128xf32, #tpu.memory_space<hbm>>)
      } else {
      }
      %dma_start3A_164 = arith.constant 0 : i32
      %dma_start3A_165 = arith.constant 0 : i32
      %dma_start3A_166 = arith.constant 0 : i32
      %dma_start3A_167 = tpu.memref_slice %arg6[%dma_start3A_164, %dma_start3A_165, %dma_start3A_166] : memref<4x128x128xf32, #tpu.memory_space<vmem>> -> memref<1x128x128xf32, #tpu.memory_space<vmem>>
      %dma_start3A_168 = tpu.memref_squeeze %dma_start3A_167 : memref<1x128x128xf32, #tpu.memory_space<vmem>> -> memref<128x128xf32, #tpu.memory_space<vmem>>
      %dma_start3A_169 = arith.constant 0 : i32
      %dma_start3A_170 = tpu.memref_slice %arg5[%add3A_161, %dma_start3A_169] : memref<200x128xi32, #tpu.memory_space<vmem>> -> memref<1x128xi32, #tpu.memory_space<vmem>>
      %dma_start3A_171 = tpu.memref_squeeze %dma_start3A_170 : memref<1x128xi32, #tpu.memory_space<vmem>> -> memref<128xi32, #tpu.memory_space<vmem>>
      %dma_start3A_172 = arith.constant 0 : i32
      %dma_start3A_173 = arith.constant 0 : i32
      %dma_start3A_174 = tpu.memref_slice %arg3[%dma_start3A_172, %dma_start3A_173] : memref<100000x128xf32, #tpu.memory_space<hbm>> -> memref<100000x128xf32, #tpu.memory_space<hbm>>
      tpu.enqueue_indirect_dma source(%dma_start3A_174 : memref<100000x128xf32, #tpu.memory_space<hbm>>) target(%dma_start3A_168 : memref<128x128xf32, #tpu.memory_space<vmem>>) offsets(%dma_start3A_171 : memref<128xi32, #tpu.memory_space<vmem>>) semaphore(%arg7 : memref<!tpu.dma_semaphore, #tpu.memory_space<semaphore_mem>>)
      %sub3A = arith.constant 3 : i32
      %sub3A_175 = arith.subi %add3A_161, %sub3A : i32
      %ge3A_176 = arith.constant 0 : i32
      %ge3A_177 = arith.cmpi sge, %sub3A_175, %ge3A_176 : i32
      %convert_element_type3A_178 = arith.extui %ge3A_177 : i1 to i32
      %cond3A_179 = arith.constant 0 : i32
      %cond3A_180 = arith.cmpi ne, %convert_element_type3A_178, %cond3A_179 : i32
      scf.if %cond3A_180 {
        %dma_wait3A_256 = arith.constant 1 : i32
        %dma_wait3A_257 = arith.constant 0 : i32
        %dma_wait3A_258 = arith.constant 0 : i32
        %dma_wait3A_259 = tpu.memref_slice %arg6[%dma_wait3A_256, %dma_wait3A_257, %dma_wait3A_258] : memref<4x128x128xf32, #tpu.memory_space<vmem>> -> memref<1x128x128xf32, #tpu.memory_space<vmem>>
        %dma_wait3A_260 = tpu.memref_squeeze %dma_wait3A_259 : memref<1x128x128xf32, #tpu.memory_space<vmem>> -> memref<128x128xf32, #tpu.memory_space<vmem>>
        %dma_wait3A_261 = arith.constant 0 : i32
        %dma_wait3A_262 = arith.constant 0 : i32
        %dma_wait3A_263 = tpu.memref_slice %arg3[%dma_wait3A_261, %dma_wait3A_262] : memref<100000x128xf32, #tpu.memory_space<hbm>> -> memref<128x128xf32, #tpu.memory_space<hbm>>
        %dma_wait3A_264 = arith.constant 0 : i32
        %dma_wait3A_265 = arith.constant 0 : i32
        %dma_wait3A_266 = tpu.memref_slice %arg6[%dma_wait3A_256, %dma_wait3A_264, %dma_wait3A_265] : memref<4x128x128xf32, #tpu.memory_space<vmem>> -> memref<1x128x128xf32, #tpu.memory_space<vmem>>
        %dma_wait3A_267 = tpu.memref_squeeze %dma_wait3A_266 : memref<1x128x128xf32, #tpu.memory_space<vmem>> -> memref<128x128xf32, #tpu.memory_space<vmem>>
        %dma_wait3A_268 = arith.constant 0 : i32
        %dma_wait3A_269 = arith.constant 0 : i32
        %dma_wait3A_270 = tpu.memref_slice %arg3[%dma_wait3A_268, %dma_wait3A_269] : memref<100000x128xf32, #tpu.memory_space<hbm>> -> memref<128x128xf32, #tpu.memory_space<hbm>>
        tpu.wait_dma2 semaphore(%arg8 : memref<!tpu.dma_semaphore, #tpu.memory_space<semaphore_mem>>) src(%dma_wait3A_270 : memref<128x128xf32, #tpu.memory_space<hbm>>) dst(%dma_wait3A_267 : memref<128x128xf32, #tpu.memory_space<vmem>>)
        %mul3A_271 = arith.constant 128 : i32
        %mul3A_272 = arith.muli %sub3A_175, %mul3A_271 : i32
        %add3A_273 = arith.addi %mul3A_2, %mul3A_272 : i32
        %dma_start3A_274 = arith.constant 1 : i32
        %dma_start3A_275 = arith.constant 0 : i32
        %dma_start3A_276 = arith.constant 0 : i32
        %dma_start3A_277 = tpu.memref_slice %arg6[%dma_start3A_274, %dma_start3A_275, %dma_start3A_276] : memref<4x128x128xf32, #tpu.memory_space<vmem>> -> memref<1x128x128xf32, #tpu.memory_space<vmem>>
        %dma_start3A_278 = tpu.memref_squeeze %dma_start3A_277 : memref<1x128x128xf32, #tpu.memory_space<vmem>> -> memref<128x128xf32, #tpu.memory_space<vmem>>
        %dma_start3A_279 = arith.constant 0 : i32
        %dma_start3A_280 = tpu.memref_slice %arg4[%add3A_273, %dma_start3A_279] : memref<819200x128xf32, #tpu.memory_space<hbm>> -> memref<128x128xf32, #tpu.memory_space<hbm>>
        %dma_start3A_281 = arith.constant 0 : i32
        %dma_start3A_282 = tpu.memref_slice %arg4[%add3A_273, %dma_start3A_281] : memref<819200x128xf32, #tpu.memory_space<hbm>> -> memref<128x128xf32, #tpu.memory_space<hbm>>
        %dma_start3A_283 = arith.constant 0 : i32
        %dma_start3A_284 = arith.constant 0 : i32
        %dma_start3A_285 = tpu.memref_slice %arg6[%dma_start3A_274, %dma_start3A_283, %dma_start3A_284] : memref<4x128x128xf32, #tpu.memory_space<vmem>> -> memref<1x128x128xf32, #tpu.memory_space<vmem>>
        %dma_start3A_286 = tpu.memref_squeeze %dma_start3A_285 : memref<1x128x128xf32, #tpu.memory_space<vmem>> -> memref<128x128xf32, #tpu.memory_space<vmem>>
        tpu.enqueue_dma source(%dma_start3A_286 : memref<128x128xf32, #tpu.memory_space<vmem>>) target(%dma_start3A_282 : memref<128x128xf32, #tpu.memory_space<hbm>>) target_semaphore(%arg12 : memref<!tpu.dma_semaphore, #tpu.memory_space<semaphore_mem>>)
      } else {
      }
      %add3A_181 = arith.constant 1 : i32
      %add3A_182 = arith.addi %add3A_159, %add3A_181 : i32
      %ge3A_183 = arith.constant 4 : i32
      %ge3A_184 = arith.cmpi sge, %add3A_182, %ge3A_183 : i32
      %convert_element_type3A_185 = arith.extui %ge3A_184 : i1 to i32
      %cond3A_186 = arith.constant 0 : i32
      %cond3A_187 = arith.cmpi ne, %convert_element_type3A_185, %cond3A_186 : i32
      scf.if %cond3A_187 {
        %dma_wait3A_256 = arith.constant 1 : i32
        %dma_wait3A_257 = arith.constant 0 : i32
        %dma_wait3A_258 = arith.constant 0 : i32
        %dma_wait3A_259 = tpu.memref_slice %arg6[%dma_wait3A_256, %dma_wait3A_257, %dma_wait3A_258] : memref<4x128x128xf32, #tpu.memory_space<vmem>> -> memref<1x128x128xf32, #tpu.memory_space<vmem>>
        %dma_wait3A_260 = tpu.memref_squeeze %dma_wait3A_259 : memref<1x128x128xf32, #tpu.memory_space<vmem>> -> memref<128x128xf32, #tpu.memory_space<vmem>>
        %dma_wait3A_261 = arith.constant 0 : i32
        %dma_wait3A_262 = arith.constant 0 : i32
        %dma_wait3A_263 = tpu.memref_slice %arg4[%dma_wait3A_261, %dma_wait3A_262] : memref<819200x128xf32, #tpu.memory_space<hbm>> -> memref<128x128xf32, #tpu.memory_space<hbm>>
        %dma_wait3A_264 = arith.constant 0 : i32
        %dma_wait3A_265 = arith.constant 0 : i32
        %dma_wait3A_266 = tpu.memref_slice %arg4[%dma_wait3A_264, %dma_wait3A_265] : memref<819200x128xf32, #tpu.memory_space<hbm>> -> memref<128x128xf32, #tpu.memory_space<hbm>>
        %dma_wait3A_267 = arith.constant 0 : i32
        %dma_wait3A_268 = arith.constant 0 : i32
        %dma_wait3A_269 = tpu.memref_slice %arg6[%dma_wait3A_256, %dma_wait3A_267, %dma_wait3A_268] : memref<4x128x128xf32, #tpu.memory_space<vmem>> -> memref<1x128x128xf32, #tpu.memory_space<vmem>>
        %dma_wait3A_270 = tpu.memref_squeeze %dma_wait3A_269 : memref<1x128x128xf32, #tpu.memory_space<vmem>> -> memref<128x128xf32, #tpu.memory_space<vmem>>
        tpu.wait_dma2 semaphore(%arg12 : memref<!tpu.dma_semaphore, #tpu.memory_space<semaphore_mem>>) src(%dma_wait3A_270 : memref<128x128xf32, #tpu.memory_space<vmem>>) dst(%dma_wait3A_266 : memref<128x128xf32, #tpu.memory_space<hbm>>)
      } else {
      }
      %dma_start3A_188 = arith.constant 1 : i32
      %dma_start3A_189 = arith.constant 0 : i32
      %dma_start3A_190 = arith.constant 0 : i32
      %dma_start3A_191 = tpu.memref_slice %arg6[%dma_start3A_188, %dma_start3A_189, %dma_start3A_190] : memref<4x128x128xf32, #tpu.memory_space<vmem>> -> memref<1x128x128xf32, #tpu.memory_space<vmem>>
      %dma_start3A_192 = tpu.memref_squeeze %dma_start3A_191 : memref<1x128x128xf32, #tpu.memory_space<vmem>> -> memref<128x128xf32, #tpu.memory_space<vmem>>
      %dma_start3A_193 = arith.constant 0 : i32
      %dma_start3A_194 = tpu.memref_slice %arg5[%add3A_182, %dma_start3A_193] : memref<200x128xi32, #tpu.memory_space<vmem>> -> memref<1x128xi32, #tpu.memory_space<vmem>>
      %dma_start3A_195 = tpu.memref_squeeze %dma_start3A_194 : memref<1x128xi32, #tpu.memory_space<vmem>> -> memref<128xi32, #tpu.memory_space<vmem>>
      %dma_start3A_196 = arith.constant 0 : i32
      %dma_start3A_197 = arith.constant 0 : i32
      %dma_start3A_198 = tpu.memref_slice %arg3[%dma_start3A_196, %dma_start3A_197] : memref<100000x128xf32, #tpu.memory_space<hbm>> -> memref<100000x128xf32, #tpu.memory_space<hbm>>
      tpu.enqueue_indirect_dma source(%dma_start3A_198 : memref<100000x128xf32, #tpu.memory_space<hbm>>) target(%dma_start3A_192 : memref<128x128xf32, #tpu.memory_space<vmem>>) offsets(%dma_start3A_195 : memref<128xi32, #tpu.memory_space<vmem>>) semaphore(%arg8 : memref<!tpu.dma_semaphore, #tpu.memory_space<semaphore_mem>>)
      %sub3A_199 = arith.constant 3 : i32
      %sub3A_200 = arith.subi %add3A_182, %sub3A_199 : i32
      %ge3A_201 = arith.constant 0 : i32
      %ge3A_202 = arith.cmpi sge, %sub3A_200, %ge3A_201 : i32
      %convert_element_type3A_203 = arith.extui %ge3A_202 : i1 to i32
      %cond3A_204 = arith.constant 0 : i32
      %cond3A_205 = arith.cmpi ne, %convert_element_type3A_203, %cond3A_204 : i32
      scf.if %cond3A_205 {
        %dma_wait3A_256 = arith.constant 2 : i32
        %dma_wait3A_257 = arith.constant 0 : i32
        %dma_wait3A_258 = arith.constant 0 : i32
        %dma_wait3A_259 = tpu.memref_slice %arg6[%dma_wait3A_256, %dma_wait3A_257, %dma_wait3A_258] : memref<4x128x128xf32, #tpu.memory_space<vmem>> -> memref<1x128x128xf32, #tpu.memory_space<vmem>>
        %dma_wait3A_260 = tpu.memref_squeeze %dma_wait3A_259 : memref<1x128x128xf32, #tpu.memory_space<vmem>> -> memref<128x128xf32, #tpu.memory_space<vmem>>
        %dma_wait3A_261 = arith.constant 0 : i32
        %dma_wait3A_262 = arith.constant 0 : i32
        %dma_wait3A_263 = tpu.memref_slice %arg3[%dma_wait3A_261, %dma_wait3A_262] : memref<100000x128xf32, #tpu.memory_space<hbm>> -> memref<128x128xf32, #tpu.memory_space<hbm>>
        %dma_wait3A_264 = arith.constant 0 : i32
        %dma_wait3A_265 = arith.constant 0 : i32
        %dma_wait3A_266 = tpu.memref_slice %arg6[%dma_wait3A_256, %dma_wait3A_264, %dma_wait3A_265] : memref<4x128x128xf32, #tpu.memory_space<vmem>> -> memref<1x128x128xf32, #tpu.memory_space<vmem>>
        %dma_wait3A_267 = tpu.memref_squeeze %dma_wait3A_266 : memref<1x128x128xf32, #tpu.memory_space<vmem>> -> memref<128x128xf32, #tpu.memory_space<vmem>>
        %dma_wait3A_268 = arith.constant 0 : i32
        %dma_wait3A_269 = arith.constant 0 : i32
        %dma_wait3A_270 = tpu.memref_slice %arg3[%dma_wait3A_268, %dma_wait3A_269] : memref<100000x128xf32, #tpu.memory_space<hbm>> -> memref<128x128xf32, #tpu.memory_space<hbm>>
        tpu.wait_dma2 semaphore(%arg9 : memref<!tpu.dma_semaphore, #tpu.memory_space<semaphore_mem>>) src(%dma_wait3A_270 : memref<128x128xf32, #tpu.memory_space<hbm>>) dst(%dma_wait3A_267 : memref<128x128xf32, #tpu.memory_space<vmem>>)
        %mul3A_271 = arith.constant 128 : i32
        %mul3A_272 = arith.muli %sub3A_200, %mul3A_271 : i32
        %add3A_273 = arith.addi %mul3A_2, %mul3A_272 : i32
        %dma_start3A_274 = arith.constant 2 : i32
        %dma_start3A_275 = arith.constant 0 : i32
        %dma_start3A_276 = arith.constant 0 : i32
        %dma_start3A_277 = tpu.memref_slice %arg6[%dma_start3A_274, %dma_start3A_275, %dma_start3A_276] : memref<4x128x128xf32, #tpu.memory_space<vmem>> -> memref<1x128x128xf32, #tpu.memory_space<vmem>>
        %dma_start3A_278 = tpu.memref_squeeze %dma_start3A_277 : memref<1x128x128xf32, #tpu.memory_space<vmem>> -> memref<128x128xf32, #tpu.memory_space<vmem>>
        %dma_start3A_279 = arith.constant 0 : i32
        %dma_start3A_280 = tpu.memref_slice %arg4[%add3A_273, %dma_start3A_279] : memref<819200x128xf32, #tpu.memory_space<hbm>> -> memref<128x128xf32, #tpu.memory_space<hbm>>
        %dma_start3A_281 = arith.constant 0 : i32
        %dma_start3A_282 = tpu.memref_slice %arg4[%add3A_273, %dma_start3A_281] : memref<819200x128xf32, #tpu.memory_space<hbm>> -> memref<128x128xf32, #tpu.memory_space<hbm>>
        %dma_start3A_283 = arith.constant 0 : i32
        %dma_start3A_284 = arith.constant 0 : i32
        %dma_start3A_285 = tpu.memref_slice %arg6[%dma_start3A_274, %dma_start3A_283, %dma_start3A_284] : memref<4x128x128xf32, #tpu.memory_space<vmem>> -> memref<1x128x128xf32, #tpu.memory_space<vmem>>
        %dma_start3A_286 = tpu.memref_squeeze %dma_start3A_285 : memref<1x128x128xf32, #tpu.memory_space<vmem>> -> memref<128x128xf32, #tpu.memory_space<vmem>>
        tpu.enqueue_dma source(%dma_start3A_286 : memref<128x128xf32, #tpu.memory_space<vmem>>) target(%dma_start3A_282 : memref<128x128xf32, #tpu.memory_space<hbm>>) target_semaphore(%arg13 : memref<!tpu.dma_semaphore, #tpu.memory_space<semaphore_mem>>)
      } else {
      }
      %add3A_206 = arith.constant 2 : i32
      %add3A_207 = arith.addi %add3A_159, %add3A_206 : i32
      %ge3A_208 = arith.constant 4 : i32
      %ge3A_209 = arith.cmpi sge, %add3A_207, %ge3A_208 : i32
      %convert_element_type3A_210 = arith.extui %ge3A_209 : i1 to i32
      %cond3A_211 = arith.constant 0 : i32
      %cond3A_212 = arith.cmpi ne, %convert_element_type3A_210, %cond3A_211 : i32
      scf.if %cond3A_212 {
        %dma_wait3A_256 = arith.constant 2 : i32
        %dma_wait3A_257 = arith.constant 0 : i32
        %dma_wait3A_258 = arith.constant 0 : i32
        %dma_wait3A_259 = tpu.memref_slice %arg6[%dma_wait3A_256, %dma_wait3A_257, %dma_wait3A_258] : memref<4x128x128xf32, #tpu.memory_space<vmem>> -> memref<1x128x128xf32, #tpu.memory_space<vmem>>
        %dma_wait3A_260 = tpu.memref_squeeze %dma_wait3A_259 : memref<1x128x128xf32, #tpu.memory_space<vmem>> -> memref<128x128xf32, #tpu.memory_space<vmem>>
        %dma_wait3A_261 = arith.constant 0 : i32
        %dma_wait3A_262 = arith.constant 0 : i32
        %dma_wait3A_263 = tpu.memref_slice %arg4[%dma_wait3A_261, %dma_wait3A_262] : memref<819200x128xf32, #tpu.memory_space<hbm>> -> memref<128x128xf32, #tpu.memory_space<hbm>>
        %dma_wait3A_264 = arith.constant 0 : i32
        %dma_wait3A_265 = arith.constant 0 : i32
        %dma_wait3A_266 = tpu.memref_slice %arg4[%dma_wait3A_264, %dma_wait3A_265] : memref<819200x128xf32, #tpu.memory_space<hbm>> -> memref<128x128xf32, #tpu.memory_space<hbm>>
        %dma_wait3A_267 = arith.constant 0 : i32
        %dma_wait3A_268 = arith.constant 0 : i32
        %dma_wait3A_269 = tpu.memref_slice %arg6[%dma_wait3A_256, %dma_wait3A_267, %dma_wait3A_268] : memref<4x128x128xf32, #tpu.memory_space<vmem>> -> memref<1x128x128xf32, #tpu.memory_space<vmem>>
        %dma_wait3A_270 = tpu.memref_squeeze %dma_wait3A_269 : memref<1x128x128xf32, #tpu.memory_space<vmem>> -> memref<128x128xf32, #tpu.memory_space<vmem>>
        tpu.wait_dma2 semaphore(%arg13 : memref<!tpu.dma_semaphore, #tpu.memory_space<semaphore_mem>>) src(%dma_wait3A_270 : memref<128x128xf32, #tpu.memory_space<vmem>>) dst(%dma_wait3A_266 : memref<128x128xf32, #tpu.memory_space<hbm>>)
      } else {
      }
      %dma_start3A_213 = arith.constant 2 : i32
      %dma_start3A_214 = arith.constant 0 : i32
      %dma_start3A_215 = arith.constant 0 : i32
      %dma_start3A_216 = tpu.memref_slice %arg6[%dma_start3A_213, %dma_start3A_214, %dma_start3A_215] : memref<4x128x128xf32, #tpu.memory_space<vmem>> -> memref<1x128x128xf32, #tpu.memory_space<vmem>>
      %dma_start3A_217 = tpu.memref_squeeze %dma_start3A_216 : memref<1x128x128xf32, #tpu.memory_space<vmem>> -> memref<128x128xf32, #tpu.memory_space<vmem>>
      %dma_start3A_218 = arith.constant 0 : i32
      %dma_start3A_219 = tpu.memref_slice %arg5[%add3A_207, %dma_start3A_218] : memref<200x128xi32, #tpu.memory_space<vmem>> -> memref<1x128xi32, #tpu.memory_space<vmem>>
      %dma_start3A_220 = tpu.memref_squeeze %dma_start3A_219 : memref<1x128xi32, #tpu.memory_space<vmem>> -> memref<128xi32, #tpu.memory_space<vmem>>
      %dma_start3A_221 = arith.constant 0 : i32
      %dma_start3A_222 = arith.constant 0 : i32
      %dma_start3A_223 = tpu.memref_slice %arg3[%dma_start3A_221, %dma_start3A_222] : memref<100000x128xf32, #tpu.memory_space<hbm>> -> memref<100000x128xf32, #tpu.memory_space<hbm>>
      tpu.enqueue_indirect_dma source(%dma_start3A_223 : memref<100000x128xf32, #tpu.memory_space<hbm>>) target(%dma_start3A_217 : memref<128x128xf32, #tpu.memory_space<vmem>>) offsets(%dma_start3A_220 : memref<128xi32, #tpu.memory_space<vmem>>) semaphore(%arg9 : memref<!tpu.dma_semaphore, #tpu.memory_space<semaphore_mem>>)
      %sub3A_224 = arith.constant 3 : i32
      %sub3A_225 = arith.subi %add3A_207, %sub3A_224 : i32
      %ge3A_226 = arith.constant 0 : i32
      %ge3A_227 = arith.cmpi sge, %sub3A_225, %ge3A_226 : i32
      %convert_element_type3A_228 = arith.extui %ge3A_227 : i1 to i32
      %cond3A_229 = arith.constant 0 : i32
      %cond3A_230 = arith.cmpi ne, %convert_element_type3A_228, %cond3A_229 : i32
      scf.if %cond3A_230 {
        %dma_wait3A_256 = arith.constant 3 : i32
        %dma_wait3A_257 = arith.constant 0 : i32
        %dma_wait3A_258 = arith.constant 0 : i32
        %dma_wait3A_259 = tpu.memref_slice %arg6[%dma_wait3A_256, %dma_wait3A_257, %dma_wait3A_258] : memref<4x128x128xf32, #tpu.memory_space<vmem>> -> memref<1x128x128xf32, #tpu.memory_space<vmem>>
        %dma_wait3A_260 = tpu.memref_squeeze %dma_wait3A_259 : memref<1x128x128xf32, #tpu.memory_space<vmem>> -> memref<128x128xf32, #tpu.memory_space<vmem>>
        %dma_wait3A_261 = arith.constant 0 : i32
        %dma_wait3A_262 = arith.constant 0 : i32
        %dma_wait3A_263 = tpu.memref_slice %arg3[%dma_wait3A_261, %dma_wait3A_262] : memref<100000x128xf32, #tpu.memory_space<hbm>> -> memref<128x128xf32, #tpu.memory_space<hbm>>
        %dma_wait3A_264 = arith.constant 0 : i32
        %dma_wait3A_265 = arith.constant 0 : i32
        %dma_wait3A_266 = tpu.memref_slice %arg6[%dma_wait3A_256, %dma_wait3A_264, %dma_wait3A_265] : memref<4x128x128xf32, #tpu.memory_space<vmem>> -> memref<1x128x128xf32, #tpu.memory_space<vmem>>
        %dma_wait3A_267 = tpu.memref_squeeze %dma_wait3A_266 : memref<1x128x128xf32, #tpu.memory_space<vmem>> -> memref<128x128xf32, #tpu.memory_space<vmem>>
        %dma_wait3A_268 = arith.constant 0 : i32
        %dma_wait3A_269 = arith.constant 0 : i32
        %dma_wait3A_270 = tpu.memref_slice %arg3[%dma_wait3A_268, %dma_wait3A_269] : memref<100000x128xf32, #tpu.memory_space<hbm>> -> memref<128x128xf32, #tpu.memory_space<hbm>>
        tpu.wait_dma2 semaphore(%arg10 : memref<!tpu.dma_semaphore, #tpu.memory_space<semaphore_mem>>) src(%dma_wait3A_270 : memref<128x128xf32, #tpu.memory_space<hbm>>) dst(%dma_wait3A_267 : memref<128x128xf32, #tpu.memory_space<vmem>>)
        %mul3A_271 = arith.constant 128 : i32
        %mul3A_272 = arith.muli %sub3A_225, %mul3A_271 : i32
        %add3A_273 = arith.addi %mul3A_2, %mul3A_272 : i32
        %dma_start3A_274 = arith.constant 3 : i32
        %dma_start3A_275 = arith.constant 0 : i32
        %dma_start3A_276 = arith.constant 0 : i32
        %dma_start3A_277 = tpu.memref_slice %arg6[%dma_start3A_274, %dma_start3A_275, %dma_start3A_276] : memref<4x128x128xf32, #tpu.memory_space<vmem>> -> memref<1x128x128xf32, #tpu.memory_space<vmem>>
        %dma_start3A_278 = tpu.memref_squeeze %dma_start3A_277 : memref<1x128x128xf32, #tpu.memory_space<vmem>> -> memref<128x128xf32, #tpu.memory_space<vmem>>
        %dma_start3A_279 = arith.constant 0 : i32
        %dma_start3A_280 = tpu.memref_slice %arg4[%add3A_273, %dma_start3A_279] : memref<819200x128xf32, #tpu.memory_space<hbm>> -> memref<128x128xf32, #tpu.memory_space<hbm>>
        %dma_start3A_281 = arith.constant 0 : i32
        %dma_start3A_282 = tpu.memref_slice %arg4[%add3A_273, %dma_start3A_281] : memref<819200x128xf32, #tpu.memory_space<hbm>> -> memref<128x128xf32, #tpu.memory_space<hbm>>
        %dma_start3A_283 = arith.constant 0 : i32
        %dma_start3A_284 = arith.constant 0 : i32
        %dma_start3A_285 = tpu.memref_slice %arg6[%dma_start3A_274, %dma_start3A_283, %dma_start3A_284] : memref<4x128x128xf32, #tpu.memory_space<vmem>> -> memref<1x128x128xf32, #tpu.memory_space<vmem>>
        %dma_start3A_286 = tpu.memref_squeeze %dma_start3A_285 : memref<1x128x128xf32, #tpu.memory_space<vmem>> -> memref<128x128xf32, #tpu.memory_space<vmem>>
        tpu.enqueue_dma source(%dma_start3A_286 : memref<128x128xf32, #tpu.memory_space<vmem>>) target(%dma_start3A_282 : memref<128x128xf32, #tpu.memory_space<hbm>>) target_semaphore(%arg14 : memref<!tpu.dma_semaphore, #tpu.memory_space<semaphore_mem>>)
      } else {
      }
      %add3A_231 = arith.constant 3 : i32
      %add3A_232 = arith.addi %add3A_159, %add3A_231 : i32
      %ge3A_233 = arith.constant 4 : i32
      %ge3A_234 = arith.cmpi sge, %add3A_232, %ge3A_233 : i32
      %convert_element_type3A_235 = arith.extui %ge3A_234 : i1 to i32
      %cond3A_236 = arith.constant 0 : i32
      %cond3A_237 = arith.cmpi ne, %convert_element_type3A_235, %cond3A_236 : i32
      scf.if %cond3A_237 {
        %dma_wait3A_256 = arith.constant 3 : i32
        %dma_wait3A_257 = arith.constant 0 : i32
        %dma_wait3A_258 = arith.constant 0 : i32
        %dma_wait3A_259 = tpu.memref_slice %arg6[%dma_wait3A_256, %dma_wait3A_257, %dma_wait3A_258] : memref<4x128x128xf32, #tpu.memory_space<vmem>> -> memref<1x128x128xf32, #tpu.memory_space<vmem>>
        %dma_wait3A_260 = tpu.memref_squeeze %dma_wait3A_259 : memref<1x128x128xf32, #tpu.memory_space<vmem>> -> memref<128x128xf32, #tpu.memory_space<vmem>>
        %dma_wait3A_261 = arith.constant 0 : i32
        %dma_wait3A_262 = arith.constant 0 : i32
        %dma_wait3A_263 = tpu.memref_slice %arg4[%dma_wait3A_261, %dma_wait3A_262] : memref<819200x128xf32, #tpu.memory_space<hbm>> -> memref<128x128xf32, #tpu.memory_space<hbm>>
        %dma_wait3A_264 = arith.constant 0 : i32
        %dma_wait3A_265 = arith.constant 0 : i32
        %dma_wait3A_266 = tpu.memref_slice %arg4[%dma_wait3A_264, %dma_wait3A_265] : memref<819200x128xf32, #tpu.memory_space<hbm>> -> memref<128x128xf32, #tpu.memory_space<hbm>>
        %dma_wait3A_267 = arith.constant 0 : i32
        %dma_wait3A_268 = arith.constant 0 : i32
        %dma_wait3A_269 = tpu.memref_slice %arg6[%dma_wait3A_256, %dma_wait3A_267, %dma_wait3A_268] : memref<4x128x128xf32, #tpu.memory_space<vmem>> -> memref<1x128x128xf32, #tpu.memory_space<vmem>>
        %dma_wait3A_270 = tpu.memref_squeeze %dma_wait3A_269 : memref<1x128x128xf32, #tpu.memory_space<vmem>> -> memref<128x128xf32, #tpu.memory_space<vmem>>
        tpu.wait_dma2 semaphore(%arg14 : memref<!tpu.dma_semaphore, #tpu.memory_space<semaphore_mem>>) src(%dma_wait3A_270 : memref<128x128xf32, #tpu.memory_space<vmem>>) dst(%dma_wait3A_266 : memref<128x128xf32, #tpu.memory_space<hbm>>)
      } else {
      }
      %dma_start3A_238 = arith.constant 3 : i32
      %dma_start3A_239 = arith.constant 0 : i32
      %dma_start3A_240 = arith.constant 0 : i32
      %dma_start3A_241 = tpu.memref_slice %arg6[%dma_start3A_238, %dma_start3A_239, %dma_start3A_240] : memref<4x128x128xf32, #tpu.memory_space<vmem>> -> memref<1x128x128xf32, #tpu.memory_space<vmem>>
      %dma_start3A_242 = tpu.memref_squeeze %dma_start3A_241 : memref<1x128x128xf32, #tpu.memory_space<vmem>> -> memref<128x128xf32, #tpu.memory_space<vmem>>
      %dma_start3A_243 = arith.constant 0 : i32
      %dma_start3A_244 = tpu.memref_slice %arg5[%add3A_232, %dma_start3A_243] : memref<200x128xi32, #tpu.memory_space<vmem>> -> memref<1x128xi32, #tpu.memory_space<vmem>>
      %dma_start3A_245 = tpu.memref_squeeze %dma_start3A_244 : memref<1x128xi32, #tpu.memory_space<vmem>> -> memref<128xi32, #tpu.memory_space<vmem>>
      %dma_start3A_246 = arith.constant 0 : i32
      %dma_start3A_247 = arith.constant 0 : i32
      %dma_start3A_248 = tpu.memref_slice %arg3[%dma_start3A_246, %dma_start3A_247] : memref<100000x128xf32, #tpu.memory_space<hbm>> -> memref<100000x128xf32, #tpu.memory_space<hbm>>
      tpu.enqueue_indirect_dma source(%dma_start3A_248 : memref<100000x128xf32, #tpu.memory_space<hbm>>) target(%dma_start3A_242 : memref<128x128xf32, #tpu.memory_space<vmem>>) offsets(%dma_start3A_245 : memref<128xi32, #tpu.memory_space<vmem>>) semaphore(%arg10 : memref<!tpu.dma_semaphore, #tpu.memory_space<semaphore_mem>>)
      %sub3A_249 = arith.constant 3 : i32
      %sub3A_250 = arith.subi %add3A_232, %sub3A_249 : i32
      %ge3A_251 = arith.constant 0 : i32
      %ge3A_252 = arith.cmpi sge, %sub3A_250, %ge3A_251 : i32
      %convert_element_type3A_253 = arith.extui %ge3A_252 : i1 to i32
      %cond3A_254 = arith.constant 0 : i32
      %cond3A_255 = arith.cmpi ne, %convert_element_type3A_253, %cond3A_254 : i32
      scf.if %cond3A_255 {
        %dma_wait3A_256 = arith.constant 0 : i32
        %dma_wait3A_257 = arith.constant 0 : i32
        %dma_wait3A_258 = arith.constant 0 : i32
        %dma_wait3A_259 = tpu.memref_slice %arg6[%dma_wait3A_256, %dma_wait3A_257, %dma_wait3A_258] : memref<4x128x128xf32, #tpu.memory_space<vmem>> -> memref<1x128x128xf32, #tpu.memory_space<vmem>>
        %dma_wait3A_260 = tpu.memref_squeeze %dma_wait3A_259 : memref<1x128x128xf32, #tpu.memory_space<vmem>> -> memref<128x128xf32, #tpu.memory_space<vmem>>
        %dma_wait3A_261 = arith.constant 0 : i32
        %dma_wait3A_262 = arith.constant 0 : i32
        %dma_wait3A_263 = tpu.memref_slice %arg3[%dma_wait3A_261, %dma_wait3A_262] : memref<100000x128xf32, #tpu.memory_space<hbm>> -> memref<128x128xf32, #tpu.memory_space<hbm>>
        %dma_wait3A_264 = arith.constant 0 : i32
        %dma_wait3A_265 = arith.constant 0 : i32
        %dma_wait3A_266 = tpu.memref_slice %arg6[%dma_wait3A_256, %dma_wait3A_264, %dma_wait3A_265] : memref<4x128x128xf32, #tpu.memory_space<vmem>> -> memref<1x128x128xf32, #tpu.memory_space<vmem>>
        %dma_wait3A_267 = tpu.memref_squeeze %dma_wait3A_266 : memref<1x128x128xf32, #tpu.memory_space<vmem>> -> memref<128x128xf32, #tpu.memory_space<vmem>>
        %dma_wait3A_268 = arith.constant 0 : i32
        %dma_wait3A_269 = arith.constant 0 : i32
        %dma_wait3A_270 = tpu.memref_slice %arg3[%dma_wait3A_268, %dma_wait3A_269] : memref<100000x128xf32, #tpu.memory_space<hbm>> -> memref<128x128xf32, #tpu.memory_space<hbm>>
        tpu.wait_dma2 semaphore(%arg7 : memref<!tpu.dma_semaphore, #tpu.memory_space<semaphore_mem>>) src(%dma_wait3A_270 : memref<128x128xf32, #tpu.memory_space<hbm>>) dst(%dma_wait3A_267 : memref<128x128xf32, #tpu.memory_space<vmem>>)
        %mul3A_271 = arith.constant 128 : i32
        %mul3A_272 = arith.muli %sub3A_250, %mul3A_271 : i32
        %add3A_273 = arith.addi %mul3A_2, %mul3A_272 : i32
        %dma_start3A_274 = arith.constant 0 : i32
        %dma_start3A_275 = arith.constant 0 : i32
        %dma_start3A_276 = arith.constant 0 : i32
        %dma_start3A_277 = tpu.memref_slice %arg6[%dma_start3A_274, %dma_start3A_275, %dma_start3A_276] : memref<4x128x128xf32, #tpu.memory_space<vmem>> -> memref<1x128x128xf32, #tpu.memory_space<vmem>>
        %dma_start3A_278 = tpu.memref_squeeze %dma_start3A_277 : memref<1x128x128xf32, #tpu.memory_space<vmem>> -> memref<128x128xf32, #tpu.memory_space<vmem>>
        %dma_start3A_279 = arith.constant 0 : i32
        %dma_start3A_280 = tpu.memref_slice %arg4[%add3A_273, %dma_start3A_279] : memref<819200x128xf32, #tpu.memory_space<hbm>> -> memref<128x128xf32, #tpu.memory_space<hbm>>
        %dma_start3A_281 = arith.constant 0 : i32
        %dma_start3A_282 = tpu.memref_slice %arg4[%add3A_273, %dma_start3A_281] : memref<819200x128xf32, #tpu.memory_space<hbm>> -> memref<128x128xf32, #tpu.memory_space<hbm>>
        %dma_start3A_283 = arith.constant 0 : i32
        %dma_start3A_284 = arith.constant 0 : i32
        %dma_start3A_285 = tpu.memref_slice %arg6[%dma_start3A_274, %dma_start3A_283, %dma_start3A_284] : memref<4x128x128xf32, #tpu.memory_space<vmem>> -> memref<1x128x128xf32, #tpu.memory_space<vmem>>
        %dma_start3A_286 = tpu.memref_squeeze %dma_start3A_285 : memref<1x128x128xf32, #tpu.memory_space<vmem>> -> memref<128x128xf32, #tpu.memory_space<vmem>>
        tpu.enqueue_dma source(%dma_start3A_286 : memref<128x128xf32, #tpu.memory_space<vmem>>) target(%dma_start3A_282 : memref<128x128xf32, #tpu.memory_space<hbm>>) target_semaphore(%arg11 : memref<!tpu.dma_semaphore, #tpu.memory_space<semaphore_mem>>)
      } else {
      }
    }
    %scan3A_6 = arith.constant 50 : i32
    %dma_wait3A = arith.constant 1 : i32
    %dma_wait3A_7 = arith.constant 0 : i32
    %dma_wait3A_8 = arith.constant 0 : i32
    %dma_wait3A_9 = tpu.memref_slice %arg6[%dma_wait3A, %dma_wait3A_7, %dma_wait3A_8] : memref<4x128x128xf32, #tpu.memory_space<vmem>> -> memref<1x128x128xf32, #tpu.memory_space<vmem>>
    %dma_wait3A_10 = tpu.memref_squeeze %dma_wait3A_9 : memref<1x128x128xf32, #tpu.memory_space<vmem>> -> memref<128x128xf32, #tpu.memory_space<vmem>>
    %dma_wait3A_11 = arith.constant 0 : i32
    %dma_wait3A_12 = arith.constant 0 : i32
    %dma_wait3A_13 = tpu.memref_slice %arg3[%dma_wait3A_11, %dma_wait3A_12] : memref<100000x128xf32, #tpu.memory_space<hbm>> -> memref<128x128xf32, #tpu.memory_space<hbm>>
    %dma_wait3A_14 = arith.constant 0 : i32
    %dma_wait3A_15 = arith.constant 0 : i32
    %dma_wait3A_16 = tpu.memref_slice %arg6[%dma_wait3A, %dma_wait3A_14, %dma_wait3A_15] : memref<4x128x128xf32, #tpu.memory_space<vmem>> -> memref<1x128x128xf32, #tpu.memory_space<vmem>>
    %dma_wait3A_17 = tpu.memref_squeeze %dma_wait3A_16 : memref<1x128x128xf32, #tpu.memory_space<vmem>> -> memref<128x128xf32, #tpu.memory_space<vmem>>
    %dma_wait3A_18 = arith.constant 0 : i32
    %dma_wait3A_19 = arith.constant 0 : i32
    %dma_wait3A_20 = tpu.memref_slice %arg3[%dma_wait3A_18, %dma_wait3A_19] : memref<100000x128xf32, #tpu.memory_space<hbm>> -> memref<128x128xf32, #tpu.memory_space<hbm>>
    tpu.wait_dma2 semaphore(%arg8 : memref<!tpu.dma_semaphore, #tpu.memory_space<semaphore_mem>>) src(%dma_wait3A_20 : memref<128x128xf32, #tpu.memory_space<hbm>>) dst(%dma_wait3A_17 : memref<128x128xf32, #tpu.memory_space<vmem>>)
    %add3A_21 = arith.constant 25216 : i32
    %add3A_22 = arith.addi %mul3A_2, %add3A_21 : i32
    %dma_start3A = arith.constant 1 : i32
    %dma_start3A_23 = arith.constant 0 : i32
    %dma_start3A_24 = arith.constant 0 : i32
    %dma_start3A_25 = tpu.memref_slice %arg6[%dma_start3A, %dma_start3A_23, %dma_start3A_24] : memref<4x128x128xf32, #tpu.memory_space<vmem>> -> memref<1x128x128xf32, #tpu.memory_space<vmem>>
    %dma_start3A_26 = tpu.memref_squeeze %dma_start3A_25 : memref<1x128x128xf32, #tpu.memory_space<vmem>> -> memref<128x128xf32, #tpu.memory_space<vmem>>
    %dma_start3A_27 = arith.constant 0 : i32
    %dma_start3A_28 = tpu.memref_slice %arg4[%add3A_22, %dma_start3A_27] : memref<819200x128xf32, #tpu.memory_space<hbm>> -> memref<128x128xf32, #tpu.memory_space<hbm>>
    %dma_start3A_29 = arith.constant 0 : i32
    %dma_start3A_30 = tpu.memref_slice %arg4[%add3A_22, %dma_start3A_29] : memref<819200x128xf32, #tpu.memory_space<hbm>> -> memref<128x128xf32, #tpu.memory_space<hbm>>
    %dma_start3A_31 = arith.constant 0 : i32
    %dma_start3A_32 = arith.constant 0 : i32
    %dma_start3A_33 = tpu.memref_slice %arg6[%dma_start3A, %dma_start3A_31, %dma_start3A_32] : memref<4x128x128xf32, #tpu.memory_space<vmem>> -> memref<1x128x128xf32, #tpu.memory_space<vmem>>
    %dma_start3A_34 = tpu.memref_squeeze %dma_start3A_33 : memref<1x128x128xf32, #tpu.memory_space<vmem>> -> memref<128x128xf32, #tpu.memory_space<vmem>>
    tpu.enqueue_dma source(%dma_start3A_34 : memref<128x128xf32, #tpu.memory_space<vmem>>) target(%dma_start3A_30 : memref<128x128xf32, #tpu.memory_space<hbm>>) target_semaphore(%arg12 : memref<!tpu.dma_semaphore, #tpu.memory_space<semaphore_mem>>)
    %dma_wait3A_35 = arith.constant 2 : i32
    %dma_wait3A_36 = arith.constant 0 : i32
    %dma_wait3A_37 = arith.constant 0 : i32
    %dma_wait3A_38 = tpu.memref_slice %arg6[%dma_wait3A_35, %dma_wait3A_36, %dma_wait3A_37] : memref<4x128x128xf32, #tpu.memory_space<vmem>> -> memref<1x128x128xf32, #tpu.memory_space<vmem>>
    %dma_wait3A_39 = tpu.memref_squeeze %dma_wait3A_38 : memref<1x128x128xf32, #tpu.memory_space<vmem>> -> memref<128x128xf32, #tpu.memory_space<vmem>>
    %dma_wait3A_40 = arith.constant 0 : i32
    %dma_wait3A_41 = arith.constant 0 : i32
    %dma_wait3A_42 = tpu.memref_slice %arg3[%dma_wait3A_40, %dma_wait3A_41] : memref<100000x128xf32, #tpu.memory_space<hbm>> -> memref<128x128xf32, #tpu.memory_space<hbm>>
    %dma_wait3A_43 = arith.constant 0 : i32
    %dma_wait3A_44 = arith.constant 0 : i32
    %dma_wait3A_45 = tpu.memref_slice %arg6[%dma_wait3A_35, %dma_wait3A_43, %dma_wait3A_44] : memref<4x128x128xf32, #tpu.memory_space<vmem>> -> memref<1x128x128xf32, #tpu.memory_space<vmem>>
    %dma_wait3A_46 = tpu.memref_squeeze %dma_wait3A_45 : memref<1x128x128xf32, #tpu.memory_space<vmem>> -> memref<128x128xf32, #tpu.memory_space<vmem>>
    %dma_wait3A_47 = arith.constant 0 : i32
    %dma_wait3A_48 = arith.constant 0 : i32
    %dma_wait3A_49 = tpu.memref_slice %arg3[%dma_wait3A_47, %dma_wait3A_48] : memref<100000x128xf32, #tpu.memory_space<hbm>> -> memref<128x128xf32, #tpu.memory_space<hbm>>
    tpu.wait_dma2 semaphore(%arg9 : memref<!tpu.dma_semaphore, #tpu.memory_space<semaphore_mem>>) src(%dma_wait3A_49 : memref<128x128xf32, #tpu.memory_space<hbm>>) dst(%dma_wait3A_46 : memref<128x128xf32, #tpu.memory_space<vmem>>)
    %add3A_50 = arith.constant 25344 : i32
    %add3A_51 = arith.addi %mul3A_2, %add3A_50 : i32
    %dma_start3A_52 = arith.constant 2 : i32
    %dma_start3A_53 = arith.constant 0 : i32
    %dma_start3A_54 = arith.constant 0 : i32
    %dma_start3A_55 = tpu.memref_slice %arg6[%dma_start3A_52, %dma_start3A_53, %dma_start3A_54] : memref<4x128x128xf32, #tpu.memory_space<vmem>> -> memref<1x128x128xf32, #tpu.memory_space<vmem>>
    %dma_start3A_56 = tpu.memref_squeeze %dma_start3A_55 : memref<1x128x128xf32, #tpu.memory_space<vmem>> -> memref<128x128xf32, #tpu.memory_space<vmem>>
    %dma_start3A_57 = arith.constant 0 : i32
    %dma_start3A_58 = tpu.memref_slice %arg4[%add3A_51, %dma_start3A_57] : memref<819200x128xf32, #tpu.memory_space<hbm>> -> memref<128x128xf32, #tpu.memory_space<hbm>>
    %dma_start3A_59 = arith.constant 0 : i32
    %dma_start3A_60 = tpu.memref_slice %arg4[%add3A_51, %dma_start3A_59] : memref<819200x128xf32, #tpu.memory_space<hbm>> -> memref<128x128xf32, #tpu.memory_space<hbm>>
    %dma_start3A_61 = arith.constant 0 : i32
    %dma_start3A_62 = arith.constant 0 : i32
    %dma_start3A_63 = tpu.memref_slice %arg6[%dma_start3A_52, %dma_start3A_61, %dma_start3A_62] : memref<4x128x128xf32, #tpu.memory_space<vmem>> -> memref<1x128x128xf32, #tpu.memory_space<vmem>>
    %dma_start3A_64 = tpu.memref_squeeze %dma_start3A_63 : memref<1x128x128xf32, #tpu.memory_space<vmem>> -> memref<128x128xf32, #tpu.memory_space<vmem>>
    tpu.enqueue_dma source(%dma_start3A_64 : memref<128x128xf32, #tpu.memory_space<vmem>>) target(%dma_start3A_60 : memref<128x128xf32, #tpu.memory_space<hbm>>) target_semaphore(%arg13 : memref<!tpu.dma_semaphore, #tpu.memory_space<semaphore_mem>>)
    %dma_wait3A_65 = arith.constant 3 : i32
    %dma_wait3A_66 = arith.constant 0 : i32
    %dma_wait3A_67 = arith.constant 0 : i32
    %dma_wait3A_68 = tpu.memref_slice %arg6[%dma_wait3A_65, %dma_wait3A_66, %dma_wait3A_67] : memref<4x128x128xf32, #tpu.memory_space<vmem>> -> memref<1x128x128xf32, #tpu.memory_space<vmem>>
    %dma_wait3A_69 = tpu.memref_squeeze %dma_wait3A_68 : memref<1x128x128xf32, #tpu.memory_space<vmem>> -> memref<128x128xf32, #tpu.memory_space<vmem>>
    %dma_wait3A_70 = arith.constant 0 : i32
    %dma_wait3A_71 = arith.constant 0 : i32
    %dma_wait3A_72 = tpu.memref_slice %arg3[%dma_wait3A_70, %dma_wait3A_71] : memref<100000x128xf32, #tpu.memory_space<hbm>> -> memref<128x128xf32, #tpu.memory_space<hbm>>
    %dma_wait3A_73 = arith.constant 0 : i32
    %dma_wait3A_74 = arith.constant 0 : i32
    %dma_wait3A_75 = tpu.memref_slice %arg6[%dma_wait3A_65, %dma_wait3A_73, %dma_wait3A_74] : memref<4x128x128xf32, #tpu.memory_space<vmem>> -> memref<1x128x128xf32, #tpu.memory_space<vmem>>
    %dma_wait3A_76 = tpu.memref_squeeze %dma_wait3A_75 : memref<1x128x128xf32, #tpu.memory_space<vmem>> -> memref<128x128xf32, #tpu.memory_space<vmem>>
    %dma_wait3A_77 = arith.constant 0 : i32
    %dma_wait3A_78 = arith.constant 0 : i32
    %dma_wait3A_79 = tpu.memref_slice %arg3[%dma_wait3A_77, %dma_wait3A_78] : memref<100000x128xf32, #tpu.memory_space<hbm>> -> memref<128x128xf32, #tpu.memory_space<hbm>>
    tpu.wait_dma2 semaphore(%arg10 : memref<!tpu.dma_semaphore, #tpu.memory_space<semaphore_mem>>) src(%dma_wait3A_79 : memref<128x128xf32, #tpu.memory_space<hbm>>) dst(%dma_wait3A_76 : memref<128x128xf32, #tpu.memory_space<vmem>>)
    %add3A_80 = arith.constant 25472 : i32
    %add3A_81 = arith.addi %mul3A_2, %add3A_80 : i32
    %dma_start3A_82 = arith.constant 3 : i32
    %dma_start3A_83 = arith.constant 0 : i32
    %dma_start3A_84 = arith.constant 0 : i32
    %dma_start3A_85 = tpu.memref_slice %arg6[%dma_start3A_82, %dma_start3A_83, %dma_start3A_84] : memref<4x128x128xf32, #tpu.memory_space<vmem>> -> memref<1x128x128xf32, #tpu.memory_space<vmem>>
    %dma_start3A_86 = tpu.memref_squeeze %dma_start3A_85 : memref<1x128x128xf32, #tpu.memory_space<vmem>> -> memref<128x128xf32, #tpu.memory_space<vmem>>
    %dma_start3A_87 = arith.constant 0 : i32
    %dma_start3A_88 = tpu.memref_slice %arg4[%add3A_81, %dma_start3A_87] : memref<819200x128xf32, #tpu.memory_space<hbm>> -> memref<128x128xf32, #tpu.memory_space<hbm>>
    %dma_start3A_89 = arith.constant 0 : i32
    %dma_start3A_90 = tpu.memref_slice %arg4[%add3A_81, %dma_start3A_89] : memref<819200x128xf32, #tpu.memory_space<hbm>> -> memref<128x128xf32, #tpu.memory_space<hbm>>
    %dma_start3A_91 = arith.constant 0 : i32
    %dma_start3A_92 = arith.constant 0 : i32
    %dma_start3A_93 = tpu.memref_slice %arg6[%dma_start3A_82, %dma_start3A_91, %dma_start3A_92] : memref<4x128x128xf32, #tpu.memory_space<vmem>> -> memref<1x128x128xf32, #tpu.memory_space<vmem>>
    %dma_start3A_94 = tpu.memref_squeeze %dma_start3A_93 : memref<1x128x128xf32, #tpu.memory_space<vmem>> -> memref<128x128xf32, #tpu.memory_space<vmem>>
    tpu.enqueue_dma source(%dma_start3A_94 : memref<128x128xf32, #tpu.memory_space<vmem>>) target(%dma_start3A_90 : memref<128x128xf32, #tpu.memory_space<hbm>>) target_semaphore(%arg14 : memref<!tpu.dma_semaphore, #tpu.memory_space<semaphore_mem>>)
    %dma_wait3A_95 = arith.constant 0 : i32
    %dma_wait3A_96 = arith.constant 0 : i32
    %dma_wait3A_97 = arith.constant 0 : i32
    %dma_wait3A_98 = tpu.memref_slice %arg6[%dma_wait3A_95, %dma_wait3A_96, %dma_wait3A_97] : memref<4x128x128xf32, #tpu.memory_space<vmem>> -> memref<1x128x128xf32, #tpu.memory_space<vmem>>
    %dma_wait3A_99 = tpu.memref_squeeze %dma_wait3A_98 : memref<1x128x128xf32, #tpu.memory_space<vmem>> -> memref<128x128xf32, #tpu.memory_space<vmem>>
    %dma_wait3A_100 = arith.constant 0 : i32
    %dma_wait3A_101 = arith.constant 0 : i32
    %dma_wait3A_102 = tpu.memref_slice %arg4[%dma_wait3A_100, %dma_wait3A_101] : memref<819200x128xf32, #tpu.memory_space<hbm>> -> memref<128x128xf32, #tpu.memory_space<hbm>>
    %dma_wait3A_103 = arith.constant 0 : i32
    %dma_wait3A_104 = arith.constant 0 : i32
    %dma_wait3A_105 = tpu.memref_slice %arg4[%dma_wait3A_103, %dma_wait3A_104] : memref<819200x128xf32, #tpu.memory_space<hbm>> -> memref<128x128xf32, #tpu.memory_space<hbm>>
    %dma_wait3A_106 = arith.constant 0 : i32
    %dma_wait3A_107 = arith.constant 0 : i32
    %dma_wait3A_108 = tpu.memref_slice %arg6[%dma_wait3A_95, %dma_wait3A_106, %dma_wait3A_107] : memref<4x128x128xf32, #tpu.memory_space<vmem>> -> memref<1x128x128xf32, #tpu.memory_space<vmem>>
    %dma_wait3A_109 = tpu.memref_squeeze %dma_wait3A_108 : memref<1x128x128xf32, #tpu.memory_space<vmem>> -> memref<128x128xf32, #tpu.memory_space<vmem>>
    tpu.wait_dma2 semaphore(%arg11 : memref<!tpu.dma_semaphore, #tpu.memory_space<semaphore_mem>>) src(%dma_wait3A_109 : memref<128x128xf32, #tpu.memory_space<vmem>>) dst(%dma_wait3A_105 : memref<128x128xf32, #tpu.memory_space<hbm>>)
    %dma_wait3A_110 = arith.constant 1 : i32
    %dma_wait3A_111 = arith.constant 0 : i32
    %dma_wait3A_112 = arith.constant 0 : i32
    %dma_wait3A_113 = tpu.memref_slice %arg6[%dma_wait3A_110, %dma_wait3A_111, %dma_wait3A_112] : memref<4x128x128xf32, #tpu.memory_space<vmem>> -> memref<1x128x128xf32, #tpu.memory_space<vmem>>
    %dma_wait3A_114 = tpu.memref_squeeze %dma_wait3A_113 : memref<1x128x128xf32, #tpu.memory_space<vmem>> -> memref<128x128xf32, #tpu.memory_space<vmem>>
    %dma_wait3A_115 = arith.constant 0 : i32
    %dma_wait3A_116 = arith.constant 0 : i32
    %dma_wait3A_117 = tpu.memref_slice %arg4[%dma_wait3A_115, %dma_wait3A_116] : memref<819200x128xf32, #tpu.memory_space<hbm>> -> memref<128x128xf32, #tpu.memory_space<hbm>>
    %dma_wait3A_118 = arith.constant 0 : i32
    %dma_wait3A_119 = arith.constant 0 : i32
    %dma_wait3A_120 = tpu.memref_slice %arg4[%dma_wait3A_118, %dma_wait3A_119] : memref<819200x128xf32, #tpu.memory_space<hbm>> -> memref<128x128xf32, #tpu.memory_space<hbm>>
    %dma_wait3A_121 = arith.constant 0 : i32
    %dma_wait3A_122 = arith.constant 0 : i32
    %dma_wait3A_123 = tpu.memref_slice %arg6[%dma_wait3A_110, %dma_wait3A_121, %dma_wait3A_122] : memref<4x128x128xf32, #tpu.memory_space<vmem>> -> memref<1x128x128xf32, #tpu.memory_space<vmem>>
    %dma_wait3A_124 = tpu.memref_squeeze %dma_wait3A_123 : memref<1x128x128xf32, #tpu.memory_space<vmem>> -> memref<128x128xf32, #tpu.memory_space<vmem>>
    tpu.wait_dma2 semaphore(%arg12 : memref<!tpu.dma_semaphore, #tpu.memory_space<semaphore_mem>>) src(%dma_wait3A_124 : memref<128x128xf32, #tpu.memory_space<vmem>>) dst(%dma_wait3A_120 : memref<128x128xf32, #tpu.memory_space<hbm>>)
    %dma_wait3A_125 = arith.constant 2 : i32
    %dma_wait3A_126 = arith.constant 0 : i32
    %dma_wait3A_127 = arith.constant 0 : i32
    %dma_wait3A_128 = tpu.memref_slice %arg6[%dma_wait3A_125, %dma_wait3A_126, %dma_wait3A_127] : memref<4x128x128xf32, #tpu.memory_space<vmem>> -> memref<1x128x128xf32, #tpu.memory_space<vmem>>
    %dma_wait3A_129 = tpu.memref_squeeze %dma_wait3A_128 : memref<1x128x128xf32, #tpu.memory_space<vmem>> -> memref<128x128xf32, #tpu.memory_space<vmem>>
    %dma_wait3A_130 = arith.constant 0 : i32
    %dma_wait3A_131 = arith.constant 0 : i32
    %dma_wait3A_132 = tpu.memref_slice %arg4[%dma_wait3A_130, %dma_wait3A_131] : memref<819200x128xf32, #tpu.memory_space<hbm>> -> memref<128x128xf32, #tpu.memory_space<hbm>>
    %dma_wait3A_133 = arith.constant 0 : i32
    %dma_wait3A_134 = arith.constant 0 : i32
    %dma_wait3A_135 = tpu.memref_slice %arg4[%dma_wait3A_133, %dma_wait3A_134] : memref<819200x128xf32, #tpu.memory_space<hbm>> -> memref<128x128xf32, #tpu.memory_space<hbm>>
    %dma_wait3A_136 = arith.constant 0 : i32
    %dma_wait3A_137 = arith.constant 0 : i32
    %dma_wait3A_138 = tpu.memref_slice %arg6[%dma_wait3A_125, %dma_wait3A_136, %dma_wait3A_137] : memref<4x128x128xf32, #tpu.memory_space<vmem>> -> memref<1x128x128xf32, #tpu.memory_space<vmem>>
    %dma_wait3A_139 = tpu.memref_squeeze %dma_wait3A_138 : memref<1x128x128xf32, #tpu.memory_space<vmem>> -> memref<128x128xf32, #tpu.memory_space<vmem>>
    tpu.wait_dma2 semaphore(%arg13 : memref<!tpu.dma_semaphore, #tpu.memory_space<semaphore_mem>>) src(%dma_wait3A_139 : memref<128x128xf32, #tpu.memory_space<vmem>>) dst(%dma_wait3A_135 : memref<128x128xf32, #tpu.memory_space<hbm>>)
    %dma_wait3A_140 = arith.constant 3 : i32
    %dma_wait3A_141 = arith.constant 0 : i32
    %dma_wait3A_142 = arith.constant 0 : i32
    %dma_wait3A_143 = tpu.memref_slice %arg6[%dma_wait3A_140, %dma_wait3A_141, %dma_wait3A_142] : memref<4x128x128xf32, #tpu.memory_space<vmem>> -> memref<1x128x128xf32, #tpu.memory_space<vmem>>
    %dma_wait3A_144 = tpu.memref_squeeze %dma_wait3A_143 : memref<1x128x128xf32, #tpu.memory_space<vmem>> -> memref<128x128xf32, #tpu.memory_space<vmem>>
    %dma_wait3A_145 = arith.constant 0 : i32
    %dma_wait3A_146 = arith.constant 0 : i32
    %dma_wait3A_147 = tpu.memref_slice %arg4[%dma_wait3A_145, %dma_wait3A_146] : memref<819200x128xf32, #tpu.memory_space<hbm>> -> memref<128x128xf32, #tpu.memory_space<hbm>>
    %dma_wait3A_148 = arith.constant 0 : i32
    %dma_wait3A_149 = arith.constant 0 : i32
    %dma_wait3A_150 = tpu.memref_slice %arg4[%dma_wait3A_148, %dma_wait3A_149] : memref<819200x128xf32, #tpu.memory_space<hbm>> -> memref<128x128xf32, #tpu.memory_space<hbm>>
    %dma_wait3A_151 = arith.constant 0 : i32
    %dma_wait3A_152 = arith.constant 0 : i32
    %dma_wait3A_153 = tpu.memref_slice %arg6[%dma_wait3A_140, %dma_wait3A_151, %dma_wait3A_152] : memref<4x128x128xf32, #tpu.memory_space<vmem>> -> memref<1x128x128xf32, #tpu.memory_space<vmem>>
    %dma_wait3A_154 = tpu.memref_squeeze %dma_wait3A_153 : memref<1x128x128xf32, #tpu.memory_space<vmem>> -> memref<128x128xf32, #tpu.memory_space<vmem>>
    tpu.wait_dma2 semaphore(%arg14 : memref<!tpu.dma_semaphore, #tpu.memory_space<semaphore_mem>>) src(%dma_wait3A_154 : memref<128x128xf32, #tpu.memory_space<vmem>>) dst(%dma_wait3A_150 : memref<128x128xf32, #tpu.memory_space<hbm>>)
    return
  }
}

</mosaic_0001>

<sc_bundles>
// kernel: kernel.3.cloned.1.call-start
scs
__scs_entry_jumppad:
0x0: {  	(pc) =	sbr.rel $0x88, $3  }
0x1: {  	(tag) =	ssettag $0x0;
	lr =	simm.s32 $0x1  }
0x2: {  	[smem:$0x3F9F] =	sst lr;
	_ =	strace $0xD0000000  }
0x3: {  	_ = 	snop  }
0x4: {  	_ = 	snop  }
0x5: {  	_ = 	snop  }
0x6: {  	_ = 	snop  }
0x7: {  	_ = 	snop  }
__scs_overlays_trampoline_lowered:
0x8: {  	[smem:$0x3FAE] =	sst s0  }
0x9: {  	[smem:$0x3FAF] =	sst s1  }
0xa: {  	[smem:$0x3FB0] =	sst s2  }
0xb: {  	[smem:$0x3FB1] =	sst s3  }
0xc: {  	[smem:$0x3FB2] =	sst s4  }
0xd: {  	[smem:$0x3FB3] =	sst s5  }
0xe: {  	[smem:$0x3FB4] =	sst s6  }
0xf: {  	[smem:$0x3FB5] =	sst s7  }
0x10: {  	[smem:$0x3FB6] =	sst s8  }
0x11: {  	[smem:$0x3FB7] =	sst s9;
	s0 =	simm.s32 @!p0 $0x0  }
0x12: {  	s1 =	sld [smem:$0x3F9D];
	s0 =	simm.s32 @p0 $0x1  }
0x13: {  	[smem:$0x3FB8] =	sst s0;
	s0 =	simm.s32 @!p1 $0x0  }
0x14: {  	s2 =	sld [smem:$0x3F9C];
	s0 =	simm.s32 @p1 $0x1  }
0x15: {  	[smem:$0x3FB9] =	sst s0;
	s0 =	simm.s32 @!p2 $0x0  }
0x16: {  	s3 =	sld [smem:$0x3FDB];
	s0 =	simm.s32 @p2 $0x1  }
0x17: {  	s4 =	simm.s32 $0x1BF5;
	[smem:$0x3FBB] =	sst s0  }
0x18: {  	s0 =	sld [smem:$0x3F9E];
	_ =	swait.ge [sflag:s4], $0x0  }
0x19: {  	s7 =	sld [smem:$0x3F9F]  }
0x1a: {  	s8 =	sadd.s32 $0xFFFFE003, lr  }
0x1b: {  	s9 =	sadd.s32 $0xFFFFFEF7, lr;
	s5 =	simm.s32 $0xFFFFFFFF;
	p2 =	slt.u32 s8, $0xFFFFF086  }
0x1c: {  	p1 =	slt.u32 s9, $0xF7A;
	s5 =	simm.s32 @!p2 $0x0  }
0x1d: {  	s5 =	simm.s32 @p1 $0x1;
	p0 =	seq.s32 s7, s2  }
0x1e: {  	s7 =	smul.u32 @!p0 $0xF7A, s2;
	p2 =	seq.s32 @!p0 s5, $0x0  }
0x1f: {  	s9 =	smul.u32 $0xF7A, s1;
	s8 =	simm.s32 @!p0 $0x1BF5;
	p2 =	por !p2, p0  }
0x20: {  	[sflag:s8] =	ssyncset.s32 @!p0 $0xFFFFF086;
	s6 =	sadd.s32 @!p0 s3, s7;
	s7 =	simm.s32 @!p0 $0x108  }
0x21: {  	s3 =	sadd.s32 s3, s9;
	s6 =	sadd.s32 @!p0 $0x88, s6;
	s7 =	simm.s32 @p2 $0x1082  }
0x22: {  	[simem:s7], [sflag:s8] =	dma.local @!p0 [hbm:s6], $0xF7A  }
0x23: {  	s9 =	sor.u32 $0xD0000000, s2;
	s6 =	simm.s32 $0x108;
	_ =	swait.ge @!p0 [sflag:s8], $0x0  }
0x24: {  	s3 =	sadd.s32 $0x88, s3;
	s6 =	simm.s32 @!p1 $0x1082;
	[sflag:s4] =	ssyncset.s32 $0xFFFFF086  }
0x25: {  	[simem:s6], [sflag:s4] =	dma.local [hbm:s3], $0xF7A  }
0x26: {  	[smem:$0x3F9F] =	sst s1;
	(tag) =	ssettag s2;
	_ =	strace s9  }
0x27: {  	s1 =	sld [smem:$0x3FAF]  }
0x28: {  	s2 =	sld [smem:$0x3FB0]  }
0x29: {  	s4 =	sld [smem:$0x3FB2]  }
0x2a: {  	p0 =	seq.s32 s5, $0x0;
	s5 =	sld [smem:$0x3FB3]  }
0x2b: {  	s6 =	sld [smem:$0x3FB4]  }
0x2c: {  	s7 =	sld [smem:$0x3FB5]  }
0x2d: {  	s3 =	simm.s32 $0x108;
	s8 =	sld [smem:$0x3FB6]  }
0x2e: {  	s3 =	simm.s32 @!p0 $0x1082;
	s9 =	sld [smem:$0x3FB7]  }
0x2f: {  	lr =	sadd.s32 s0, s3;
	s0 =	sld [smem:$0x3FAE]  }
0x30: {  	s3 =	sld [smem:$0x3FB1]  }
0x31: {  	[smem:$0x3FBA] =	sst s10  }
0x32: {  	s10 =	sld [smem:$0x3FB8];
	_ =	sdelay $0x3  }
0x33: {  	p0 =	seq.s32 s10, $0x1;
	s10 =	sld [smem:$0x3FBA];
	_ =	sdelay $0x3  }
0x34: {  	[smem:$0x3FBA] =	sst s10  }
0x35: {  	s10 =	sld [smem:$0x3FB9];
	_ =	sdelay $0x3  }
0x36: {  	p1 =	seq.s32 s10, $0x1;
	s10 =	sld [smem:$0x3FBA];
	_ =	sdelay $0x3  }
0x37: {  	[smem:$0x3FBA] =	sst s10  }
0x38: {  	s10 =	sld [smem:$0x3FBB]  }
0x39: {  	_ = 	snop;
	(pc) =	sbr.ind lr, $3  }
0x3a: {  	_ = 	snop  }
0x3b: {  	_ = 	snop  }
0x3c: {  	p2 =	seq.s32 s10, $0x1;
	s10 =	sld [smem:$0x3FBA]  }
0x3d: {  	_ =	shalt  }
0x3e: {  	_ =	shalt  }
0x3f: {  	_ =	shalt  }
0x40: {  	_ =	shalt  }
0x41: {  	_ =	shalt  }
0x42: {  	_ =	shalt  }
0x43: {  	_ =	shalt  }
0x44: {  	_ =	shalt  }
0x45: {  	_ =	shalt  }
0x46: {  	_ =	shalt  }
0x47: {  	_ =	shalt  }
0x48: {  	_ =	shalt  }
0x49: {  	_ =	shalt  }
0x4a: {  	_ =	shalt  }
0x4b: {  	_ =	shalt  }
0x4c: {  	_ =	shalt  }
0x4d: {  	_ =	shalt  }
0x4e: {  	_ =	shalt  }
0x4f: {  	_ =	shalt  }
0x50: {  	_ =	shalt  }
0x51: {  	_ =	shalt  }
0x52: {  	_ =	shalt  }
0x53: {  	_ =	shalt  }
0x54: {  	_ =	shalt  }
0x55: {  	_ =	shalt  }
0x56: {  	_ =	shalt  }
0x57: {  	_ =	shalt  }
0x58: {  	_ =	shalt  }
0x59: {  	_ =	shalt  }
0x5a: {  	_ =	shalt  }
0x5b: {  	_ =	shalt  }
0x5c: {  	_ =	shalt  }
0x5d: {  	_ =	shalt  }
0x5e: {  	_ =	shalt  }
0x5f: {  	_ =	shalt  }
0x60: {  	_ =	shalt  }
0x61: {  	_ =	shalt  }
0x62: {  	_ =	shalt  }
0x63: {  	_ =	shalt  }
0x64: {  	_ =	shalt  }
0x65: {  	_ =	shalt  }
0x66: {  	_ =	shalt  }
0x67: {  	_ =	shalt  }
0x68: {  	_ =	shalt  }
0x69: {  	_ =	shalt  }
0x6a: {  	_ =	shalt  }
0x6b: {  	_ =	shalt  }
0x6c: {  	_ =	shalt  }
0x6d: {  	_ =	shalt  }
0x6e: {  	_ =	shalt  }
0x6f: {  	_ =	shalt  }
0x70: {  	_ =	shalt  }
0x71: {  	_ =	shalt  }
0x72: {  	_ =	shalt  }
0x73: {  	_ =	shalt  }
0x74: {  	_ =	shalt  }
0x75: {  	_ =	shalt  }
0x76: {  	_ =	shalt  }
0x77: {  	_ =	shalt  }
0x78: {  	_ =	shalt  }
0x79: {  	_ =	shalt  }
0x7a: {  	_ =	shalt  }
0x7b: {  	_ =	shalt  }
0x7c: {  	_ =	shalt  }
0x7d: {  	_ =	shalt  }
0x7e: {  	_ =	shalt  }
0x7f: {  	_ =	shalt  }
0x80: {  	_ =	shalt  }
0x81: {  	_ =	shalt  }
0x82: {  	_ =	shalt  }
0x83: {  	_ =	shalt  }
0x84: {  	_ =	shalt  }
0x85: {  	_ =	shalt  }
0x86: {  	_ =	shalt  }
0x87: {  	_ =	shalt  }
.Lfunc_end0:
.L_simem_size_0:
called_computation_lowered:
.L_overlay_start_0:
0x88: {  	s2 =	sld [smem:$0x3FD9]  }
0x89: {  	s3 =	sld [smem:$0x3FFE];
	_ =	sdelay $0x1  }
0x8a: {  	s1 =	srdreg.scid  }
0x8b: {  	s0 =	sand.u32 $0x1, s1  }
0x8c: {  	s17 =	sshll.u32 s0, $0xA;
	s2 =	sadd.s32 s3, s2  }
0x8d: {  	s2 =	sadd.s32 s2, s17  }
0x8e: {  	[smem:$0x3FC6] =	sst s2  }
0x8f: {  	_ = 	snop  }
0x90: {  	s2 =	sld [smem:$0x3FC8]  }
0x91: {  	s18 =	sld [smem:$0x3FD0];
	(tm) =	ssettm $0x1  }
0x92: {  	s4 =	sld [smem:$0x3FFB];
	_ =	sdelay $0x3  }
0x93: {  	_ =	strace s4  }
0x94: {  	s4 =	sld [smem:$0x3FFC];
	_ =	sdelay $0x3  }
0x95: {  	_ =	strace s4  }
0x96: {  	s4 =	sld [smem:$0x3FFD];
	_ =	sdelay $0x3  }
0x97: {  	_ =	strace s4  }
0x98: {  	_ =	strace $0x8FFFFFFF  }
0x99: {  	s19 =	sld [smem:$0x3FDB];
	_ =	sdelay $0x1  }
0x9a: {  	s5 =	simm.s32 $_scs_section_size  }
0x9b: {  	s6 =	simm.s32 $_size__tile_overlayer_lowered;
	s7 =	simm.s32 $_tile_overlayer_lowered  }
0x9c: {  	s22 =	simm.s32 $0x1BFF;
	s21 =	sshll.u32 s7, $0x1;
	s4 =	sadd.s32 s5, s19  }
0x9d: {  	s8 =	simm.s32 $0x0;
	s20 =	sshll.u32 s6, $0x1;
	s6 =	sadd.s32 s21, s4  }
0x9e: {  	[timem:s8], [sflag:s22] =	dma.local [hbm:s6], s20  }
0x9f: {  	_ =	swait.ge [sflag:s22], s20  }
0xa0: {  	s5 =	ssub.s32 $0x0, s20;
	[sflag:s22] =	ssyncset.done $0x0  }
0xa1: {  	[sflag:s22] =	ssyncadd.s32 s5;
	_ =	sdelay $0x1  }
0xa2: {  	s23 =	simm.s32 $0x1B8B  }
0xa3: {  	_ =	swait.ge [sflag:s23], $0x1  }
0xa4: {  	[sflag:s23] =	ssyncset.done $0x0  }
0xa5: {  	s25 =	simm.s32 $0x1B8E;
	s24 =	sld [smem:$0x3FFE];
	[sflag:s23] =	ssyncadd.s32 $0xFFFFFFFF  }
0xa6: {  	s26 =	simm.s32 $execute0_lowered;
	[smem:$0x3FD2] =	sst s25  }
0xa7: {  	s6 =	sshll.u32 s26, $0x1;
	_ =	strace $0x80000046;
	[dreg:$0x1] =	wrdreg $0xFFFFFFFF  }
0xa8: {  	s28 =	simm.s32 $_size_execute0_lowered;
	s4 =	sadd.s32 s4, s6;
	[dreg:$0x0] =	wrdreg $0x0  }
0xa9: {  	s6 =	sshll.u32 s28, $0x1;
	[dreg:$0x2] =	wrdreg s4  }
0xaa: {  	[dreg:$0x3] =	wrdreg s6  }
0xab: {  	[dreg:$0x4] =	wrdreg $0xC0  }
0xac: {  	_ =	task [dreg:s8], $0x5FFFF  }
0xad: {  	[dreg:$0x1] =	wrdreg $0xFFFFFFFF  }
0xae: {  	[dreg:$0x0] =	wrdreg $0x60  }
0xaf: {  	[dreg:$0x2] =	wrdreg s24  }
0xb0: {  	[dreg:$0x3] =	wrdreg s2  }
0xb1: {  	[dreg:$0x4] =	wrdreg s18  }
0xb2: {  	[dreg:$0x5] =	wrdreg $0x9  }
0xb3: {  	_ =	task.clear_ibuf [dreg:s8], $0x6FFFF;
	_ =	strace $0x90000046  }
0xb4: {  	s29 =	simm.s32 $0x9;
	_ =	strace $0x80000048  }
0xb5: {  	_ =	swait.ge [sflag:s29], $0x1  }
0xb6: {  	[sflag:s29] =	ssyncadd.s32 $0xFFFFFFFF  }
0xb7: {  	_ =	strace $0x90000048  }
0xb8: {  	_ =	sfence  }
0xb9: {  	s30 =	sld [smem:$0x0];
	_ =	sdelay $0x2  }
0xba: {  	s31 =	sshll.u32 s1, $0xD;
	s1 =	sshrl.u32 s1, $0x2  }
0xbb: {  	s3 =	sand.u32 $0x4000, s31;
	s1 =	sadd.s32 s1, s30  }
0xbc: {  	s0 =	sor.u32 s3, s0;
	s1 =	sshll.u32 s1, $0x11  }
0xbd: {  	s0 =	sor.u32 s1, s0  }
0xbe: {  	s0 =	sadd.s32 $0x8F2B, s0  }
0xbf: {  	[sflag:s0] =	ssyncadd.remote.s32 $0x1  }
0xc0: {  	_ =	sfence.sel $0xFFFF  }
0xc1: {  	[dreg:$0x0] =	wrdreg $0xFFFFFFFF;
	(pc) =	sbr.abs _section_cstart, $3  }
0xc2: {  	[dreg:$0x1] =	wrdreg $0xFFFFFFFF  }
0xc3: {  	_ =	task.clear_ibuf [dreg:s8], $0x2FFFF;
	_ =	strace $0x9FFFFFFF  }
0xc4: {  	(tm) =	ssettm $0x7FFFFFFF  }
0xc5: {  	_ =	shalt  }
tec
execute0_lowered:
.L_overlay_start_1:
0x0: {  	(tag) =	ssettag $0x1  }
0x1: {  	s1 =	rddreg [dreg:$0x0]  }
0x2: {  	s0 =	srdreg.scid;
	s2 =	rddreg [dreg:$0x1]  }
0x3: {  	s7 =	stileid.u32;
	s13 =	rddreg [dreg:$0x2];
	s14 =	simm.s32 $0x9  }
0x4: {  	s15 =	simm.s32 $0x80;
	s16 =	simm.s32 $0x6400;
	s17 =	simm.s32 $0xA400  }
0x5: {  	s19 =	simm.s32 $0xE400;
	s21 =	simm.s32 $0x12400;
	s22 =	simm.s32 $0x1  }
0x6: {  	s23 =	simm.s32 $0x5;
	s28 =	simm.s32 $0x7;
	s29 =	simm.s32 $0x4  }
0x7: {  	s0 =	sand.u32 $0x1, s0;
	s3 =	sshll.u32 s7, $0x1;
	s7 =	smul.u32 $0x640000, s7  }
0x8: {  	s4 =	sor.u32 s0, s3;
	s6 =	ssub.s32 $0x2, s0;
	s0 =	smul.u32 $0x320000, s0  }
0x9: {  	s30 =	simm.s32 $0x8;
	s3 =	simm.s32 $0x0;
	s5 =	smul.u32 $0xC80, s4  }
0xa: {  	s4 =	smul.u32 $0x320000, s4;
	[smem:$0x7FF] =	sst s3;
	s8 =	sshrl.u32 s6, $0x1  }
0xb: {  	s31 =	simm.s32 $0x0;
	_ =	strace $0x80000047;
	s9 =	ssub.s32 s6, s8  }
0xc: {  	s0 =	sadd.s32 s0, s7;
	s1 =	sadd.s32 s5, s1;
	s24 =	sshrl.u32 s4, $0x3  }
0xd: {  	s25 =	sor.u32 $0x10000, s0;
	s9 =	smax.u32 s9, $0x1;
	s26 =	sor.u32 $0xC000, s0  }
0xe: {  	s11 =	sor.u32 $0x8000, s0;
	s0 =	sor.u32 $0x4000, s0;
	s4 =	sadd.s32 $0x400, s1  }
0xf: {  	s5 =	sadd.s32 s13, s24;
	s1 =	sshrl.u32 s25, $0x3;
	s12 =	sshrl.u32 s11, $0x3  }
0x10: {  	s0 =	sshrl.u32 s0, $0x3;
	s24 =	simm.s32 $0x2;
	s25 =	simm.s32 $0x6  }
0x11: {  	s6 =	sadd.s32 $0x62800, s5;
	s7 =	sadd.s32 $0x63000, s5;
	s8 =	sadd.s32 $0x63800, s5  }
0x12: {  	s10 =	sadd.s32 s1, s13;
	s1 =	sshrl.u32 s26, $0x3;
	s12 =	sadd.s32 s12, s13  }
0x13: {  	s26 =	simm.s32 $0x3;
	s11 =	sadd.s32 s1, s13;
	s13 =	sadd.s32 s0, s13  }
.LBB2_1:
0x14: {  	[tilespmem:s3], [sflag:$0x9] =	stream.linear.gather [hbm4b:s4+s3], $0x6400, $0x38;
	[tilespmem:$0x16400] =	vst v63  }
0x15: {  	_ =	swait.ge [sflag:s14], $0x6400  }
0x16: {  	[sflag:s14] =	ssyncset.done $0x0  }
0x17: {  	[sflag:s14] =	ssyncadd.s32 $0xFFFF9C00  }
0x18: {  	[tilespmem:s16], [sflag:$0x1] =	stream.indirect.gather [hbm4b:s2+s15], $0x80, s3, s15, $0xb8;
	[tilespmem:$0x16400] =	vst v63  }
0x19: {  	_ = 	snop  }
0x1a: {  	[tilespmem:s17], [sflag:$0x2] =	stream.indirect.gather [hbm4b:s2+s15], $0x80, s15, s15, $0xb8;
	[tilespmem:$0x16400] =	vst v63  }
0x1b: {  	s0 =	simm.s32 $0x100  }
0x1c: {  	[tilespmem:s19], [sflag:$0x3] =	stream.indirect.gather [hbm4b:s2+s15], $0x80, s0, s15, $0xb8;
	[tilespmem:$0x16400] =	vst v63  }
0x1d: {  	s18 =	simm.s32 $0x180  }
0x1e: {  	[tilespmem:s21], [sflag:$0x4] =	stream.indirect.gather [hbm4b:s2+s15], $0x80, s18, s15, $0xb8;
	[tilespmem:$0x16400] =	vst v63  }
0x1f: {  	_ =	swait.ge [sflag:s22], $0x4000  }
0x20: {  	[sflag:s22] =	ssyncset.done $0x0  }
0x21: {  	[sflag:s22] =	ssyncadd.s32 $0xFFFFC000  }
0x22: {  	[hbm4b:s5+s3] =	stream.linear.scatter [tilespmem:s16], [sflag:$0x5], $0x4000, $0x38;
	[tilespmem:$0x16400] =	vst v63  }
0x23: {  	_ =	swait.ge [sflag:s23], $0x4000  }
0x24: {  	[sflag:s23] =	ssyncset.done $0x0  }
0x25: {  	s20 =	simm.s32 $0x200;
	[sflag:s23] =	ssyncadd.s32 $0xFFFFC000  }
0x26: {  	[tilespmem:s16], [sflag:$0x1] =	stream.indirect.gather [hbm4b:s2+s15], $0x80, s20, s15, $0xb8;
	[tilespmem:$0x16400] =	vst v63  }
0x27: {  	_ =	swait.ge [sflag:s24], $0x4000  }
0x28: {  	[sflag:s24] =	ssyncset.done $0x0  }
0x29: {  	s1 =	sadd.s32 $0x0, s13;
	[sflag:s24] =	ssyncadd.s32 $0xFFFFC000  }
0x2a: {  	[hbm4b:s1+s3] =	stream.linear.scatter [tilespmem:s17], [sflag:$0x6], $0x4000, $0x38;
	[tilespmem:$0x16400] =	vst v63  }
0x2b: {  	_ =	swait.ge [sflag:s25], $0x4000  }
0x2c: {  	[sflag:s25] =	ssyncset.done $0x0  }
0x2d: {  	s18 =	simm.s32 $0x280;
	[sflag:s25] =	ssyncadd.s32 $0xFFFFC000  }
0x2e: {  	[tilespmem:s17], [sflag:$0x2] =	stream.indirect.gather [hbm4b:s2+s15], $0x80, s18, s15, $0xb8;
	[tilespmem:$0x16400] =	vst v63  }
0x2f: {  	_ =	swait.ge [sflag:s26], $0x4000  }
0x30: {  	[sflag:s26] =	ssyncset.done $0x0  }
0x31: {  	s20 =	sadd.s32 $0x0, s12;
	[sflag:s26] =	ssyncadd.s32 $0xFFFFC000  }
0x32: {  	[hbm4b:s20+s3] =	stream.linear.scatter [tilespmem:s19], [sflag:$0x7], $0x4000, $0x38;
	[tilespmem:$0x16400] =	vst v63  }
0x33: {  	_ =	swait.ge [sflag:s28], $0x4000  }
0x34: {  	[sflag:s28] =	ssyncset.done $0x0  }
0x35: {  	s1 =	simm.s32 $0x300;
	[sflag:s28] =	ssyncadd.s32 $0xFFFFC000  }
0x36: {  	[tilespmem:s19], [sflag:$0x3] =	stream.indirect.gather [hbm4b:s2+s15], $0x80, s1, s15, $0xb8;
	[tilespmem:$0x16400] =	vst v63  }
0x37: {  	_ =	swait.ge [sflag:s29], $0x4000  }
0x38: {  	[sflag:s29] =	ssyncset.done $0x0  }
0x39: {  	s18 =	sadd.s32 $0x0, s11;
	[sflag:s29] =	ssyncadd.s32 $0xFFFFC000  }
0x3a: {  	[hbm4b:s18+s3] =	stream.linear.scatter [tilespmem:s21], [sflag:$0x8], $0x4000, $0x38;
	[tilespmem:$0x16400] =	vst v63  }
0x3b: {  	_ =	swait.ge [sflag:s30], $0x4000  }
0x3c: {  	[sflag:s30] =	ssyncset.done $0x0  }
0x3d: {  	s20 =	simm.s32 $0x380;
	[sflag:s30] =	ssyncadd.s32 $0xFFFFC000  }
0x3e: {  	[tilespmem:s21], [sflag:$0x4] =	stream.indirect.gather [hbm4b:s2+s15], $0x80, s20, s15, $0xb8;
	[tilespmem:$0x16400] =	vst v63  }
0x3f: {  	_ =	swait.ge [sflag:s22], $0x4000  }
0x40: {  	s0 =	simm.s32 $0x580;
	[sflag:s22] =	ssyncset.done $0x0  }
0x41: {  	s1 =	simm.s32 $0x2000;
	s18 =	sadd.s32 $0x0, s10;
	[sflag:s22] =	ssyncadd.s32 $0xFFFFC000  }
.LBB2_2:
0x42: {  	[hbm4b:s18+s3] =	stream.linear.scatter [tilespmem:s16], [sflag:$0x5], $0x4000, $0x38;
	[tilespmem:$0x16400] =	vst v63  }
0x43: {  	s18 =	smov.u32 s1  }
0x44: {  	p0 =	sne.s32 s1, $0x60000;
	s1 =	sadd.s32 $0x2000, s1;
	_ =	swait.ge [sflag:s23], $0x4000  }
0x45: {  	[sflag:s23] =	ssyncset.done $0x0  }
0x46: {  	s20 =	sadd.s32 $0xFFFFFE80, s0;
	[sflag:s23] =	ssyncadd.s32 $0xFFFFC000  }
0x47: {  	[tilespmem:s16], [sflag:$0x1] =	stream.indirect.gather [hbm4b:s2+s15], $0x80, s20, s15, $0xb8;
	[tilespmem:$0x16400] =	vst v63  }
0x48: {  	_ =	swait.ge [sflag:s24], $0x4000  }
0x49: {  	[sflag:s24] =	ssyncset.done $0x0  }
0x4a: {  	s20 =	sadd.s32 s18, s13;
	[sflag:s24] =	ssyncadd.s32 $0xFFFFC000  }
0x4b: {  	[hbm4b:s20+s3] =	stream.linear.scatter [tilespmem:s17], [sflag:$0x6], $0x4000, $0x38;
	[tilespmem:$0x16400] =	vst v63  }
0x4c: {  	_ =	swait.ge [sflag:s25], $0x4000  }
0x4d: {  	[sflag:s25] =	ssyncset.done $0x0  }
0x4e: {  	s20 =	sadd.s32 $0xFFFFFF00, s0;
	[sflag:s25] =	ssyncadd.s32 $0xFFFFC000  }
0x4f: {  	[tilespmem:s17], [sflag:$0x2] =	stream.indirect.gather [hbm4b:s2+s15], $0x80, s20, s15, $0xb8;
	[tilespmem:$0x16400] =	vst v63  }
0x50: {  	_ =	swait.ge [sflag:s26], $0x4000  }
0x51: {  	[sflag:s26] =	ssyncset.done $0x0  }
0x52: {  	s20 =	sadd.s32 s18, s12;
	[sflag:s26] =	ssyncadd.s32 $0xFFFFC000  }
0x53: {  	[hbm4b:s20+s3] =	stream.linear.scatter [tilespmem:s19], [sflag:$0x7], $0x4000, $0x38;
	[tilespmem:$0x16400] =	vst v63  }
0x54: {  	_ =	swait.ge [sflag:s28], $0x4000  }
0x55: {  	[sflag:s28] =	ssyncset.done $0x0  }
0x56: {  	s20 =	sadd.s32 $0xFFFFFF80, s0;
	[sflag:s28] =	ssyncadd.s32 $0xFFFFC000  }
0x57: {  	[tilespmem:s19], [sflag:$0x3] =	stream.indirect.gather [hbm4b:s2+s15], $0x80, s20, s15, $0xb8;
	[tilespmem:$0x16400] =	vst v63  }
0x58: {  	_ =	swait.ge [sflag:s29], $0x4000  }
0x59: {  	[sflag:s29] =	ssyncset.done $0x0  }
0x5a: {  	s20 =	sadd.s32 s18, s11;
	[sflag:s29] =	ssyncadd.s32 $0xFFFFC000  }
0x5b: {  	[hbm4b:s20+s3] =	stream.linear.scatter [tilespmem:s21], [sflag:$0x8], $0x4000, $0x38;
	[tilespmem:$0x16400] =	vst v63  }
0x5c: {  	_ =	swait.ge [sflag:s30], $0x4000  }
0x5d: {  	[sflag:s30] =	ssyncset.done $0x0  }
.Ltmp0:
0x5e: {  	[sflag:s30] =	ssyncadd.s32 $0xFFFFC000;
	(pc) =	sbr.rel @p0 .LBB2_2-.Ltmp0, $4  }
0x5f: {  	[tilespmem:s21], [sflag:$0x4] =	stream.indirect.gather [hbm4b:s2+s15], $0x80, s0, s15, $0xb8;
	[tilespmem:$0x16400] =	vst v63  }
0x60: {  	_ =	swait.ge [sflag:s22], $0x4000  }
0x61: {  	[sflag:s22] =	ssyncset.done $0x0  }
0x62: {  	s18 =	sadd.s32 s18, s10;
	s0 =	sadd.s32 $0x200, s0;
	[sflag:s22] =	ssyncadd.s32 $0xFFFFC000  }
0x63: {  	[hbm4b:s18+s3] =	stream.linear.scatter [tilespmem:s16], [sflag:$0x5], $0x4000, $0x38;
	[tilespmem:$0x16400] =	vst v63  }
0x64: {  	_ =	swait.ge [sflag:s24], $0x4000  }
0x65: {  	[sflag:s24] =	ssyncset.done $0x0  }
0x66: {  	[sflag:s24] =	ssyncadd.s32 $0xFFFFC000  }
0x67: {  	[hbm4b:s6+s3] =	stream.linear.scatter [tilespmem:s17], [sflag:$0x6], $0x4000, $0x38;
	[tilespmem:$0x16400] =	vst v63  }
0x68: {  	_ =	swait.ge [sflag:s26], $0x4000  }
0x69: {  	[sflag:s26] =	ssyncset.done $0x0  }
0x6a: {  	[sflag:s26] =	ssyncadd.s32 $0xFFFFC000  }
0x6b: {  	[hbm4b:s7+s3] =	stream.linear.scatter [tilespmem:s19], [sflag:$0x7], $0x4000, $0x38;
	[tilespmem:$0x16400] =	vst v63  }
0x6c: {  	_ =	swait.ge [sflag:s29], $0x4000  }
0x6d: {  	[sflag:s29] =	ssyncset.done $0x0  }
0x6e: {  	[sflag:s29] =	ssyncadd.s32 $0xFFFFC000  }
0x6f: {  	[hbm4b:s8+s3] =	stream.linear.scatter [tilespmem:s21], [sflag:$0x8], $0x4000, $0x38;
	[tilespmem:$0x16400] =	vst v63  }
0x70: {  	_ =	swait.ge [sflag:s23], $0x4000  }
0x71: {  	[sflag:s23] =	ssyncset.done $0x0  }
0x72: {  	[sflag:s23] =	ssyncadd.s32 $0xFFFFC000  }
0x73: {  	_ =	swait.ge [sflag:s25], $0x4000  }
0x74: {  	[sflag:s25] =	ssyncset.done $0x0  }
0x75: {  	s31 =	sadd.s32 $0x1, s31;
	[sflag:s25] =	ssyncadd.s32 $0xFFFFC000  }
0x76: {  	p0 =	sne.s32 s31, s9;
	_ =	swait.ge [sflag:s28], $0x4000  }
.Ltmp1:
0x77: {  	[sflag:s28] =	ssyncset.done $0x0;
	(pc) =	sbr.rel @p0 .LBB2_1-.Ltmp1, $4  }
0x78: {  	[sflag:s28] =	ssyncadd.s32 $0xFFFFC000  }
0x79: {  	_ =	swait.ge [sflag:s30], $0x4000  }
0x7a: {  	[sflag:s30] =	ssyncset.done $0x0  }
0x7b: {  	[sflag:s30] =	ssyncadd.s32 $0xFFFFC000  }
0x7c: {  	_ =	sfence.sel $0x180000  }
0x7d: {  	[bflag:$0x0] =	sbarrier.arrive $0xFFFF  }
0x7e: {  	_ =	strace $0x90000047  }
0x7f: {  	s0 =	stileid.u32;
	[bflag:$0x2] =	sbarrier.arrive $0xFFFF  }
0x80: {  	p0 =	sne.s32 s0, $0x0;
	s0 =	rddreg [dreg:$0x3]  }
0x81: {  	s0 =	sadd.s32 @!p0 $0x100000, s0  }
0x82: {  	[sflag:s0] =	ssyncadd.tile.s32 @!p0 $0x1;
	_ =	shalt  }
.Lfunc_end2:
_tile_overlayer_lowered:
.L_overlay_start_2:
0x83: {  	(tag) =	ssettag $0x2  }
0x84: {  	s0 =	rddreg [dreg:$0x0];
	s2 =	stileid.u32  }
0x85: {  	s1 =	rddreg [dreg:$0x1];
	p0 =	sne.s32 s2, $0x0  }
0x86: {  	s3 =	rddreg [dreg:$0x2];
	[bflag:$0x3] =	sbarrier.arrive $0xFFFF;
	s2 =	simm.s32 @!p0 $0x1C09  }
0x87: {  	[timem:s3], [sflag:s2] =	dma.local @!p0 [hbm:s0], s1  }
0x88: {  	s0 =	simm.s32 @!p0 $0x9  }
0x89: {  	_ =	swait.ge @!p0 [sflag:s0], s1  }
0x8a: {  	s1 =	ssub.s32 @!p0 $0x0, s1;
	[sflag:s0] =	ssyncset.done @!p0 $0x0  }
0x8b: {  	[sflag:s0] =	ssyncadd.s32 @!p0 s1  }
0x8c: {  	[bflag:$0x3] =	sbarrier.arrive $0xFFFF  }
0x8d: {  	_ =	shalt  }

</sc_bundles>
